<compile_context>
chip_gen: v7x
topology: tpu7x:2x2x1
jax: 0.10.2.dev20260603
libtpu: 0.0.44.dev20260713+nightly
codegen_flags: <defaults>
</compile_context>

<pallas_src>
import jax
import jax.numpy as jnp
from jax import lax
from jax.experimental import pallas as pl
from jax.experimental.pallas import tpu as pltpu
from jax.experimental.pallas import tpu_sc as plsc

B = 16384
D = 64
L = 16
NC, NS = 2, 16
NW = NC * NS
RW = B // NW
SL = 2 * L
G = RW // SL
NBUF = 4

C_ROW = 18
G_ROW = 21


def _body(typ_i, cat_i, tgt_i, n0_h, n1_h, n2_h, typ_t, cat_t, tgt_t, w,
          bvec, out, idx_t_v, idx_c_v, idx_g_v, n0_v, n1_v, n2_v, tab_v,
          w_v, b_v, ring_v, in_sem, out_sem):
    wid = lax.axis_index("s") * NC + lax.axis_index("c")
    r0 = wid * RW

    cps = [
        pltpu.async_copy(typ_i.at[pl.ds(r0, RW)], idx_t_v, in_sem),
        pltpu.async_copy(cat_i.at[pl.ds(r0, RW)], idx_c_v, in_sem),
        pltpu.async_copy(tgt_i.at[pl.ds(r0, RW)], idx_g_v, in_sem),
        pltpu.async_copy(n0_h.at[pl.ds(r0, RW)], n0_v, in_sem),
        pltpu.async_copy(n1_h.at[pl.ds(r0, RW)], n1_v, in_sem),
        pltpu.async_copy(n2_h.at[pl.ds(r0, RW)], n2_v, in_sem),
        pltpu.async_copy(typ_t, tab_v.at[pl.ds(0, 18), :], in_sem),
        pltpu.async_copy(cat_t, tab_v.at[pl.ds(C_ROW, 3), :], in_sem),
        pltpu.async_copy(tgt_t, tab_v.at[pl.ds(G_ROW, 15), :], in_sem),
        pltpu.async_copy(w, w_v, in_sem),
        pltpu.async_copy(bvec, b_v, in_sem),
    ]
    for cp in cps:
        cp.wait()

    wvecs = [[w_v[k, pl.ds(dg * L, L)] for dg in range(4)] for k in range(3)]
    bvecs = [b_v[pl.ds(dg * L, L)] for dg in range(4)]
    lane = lax.iota(jnp.int32, L)
    dgc = [lane + dg * L for dg in range(4)]

    def group(g, carry):
        slot = lax.rem(g, NBUF)
        srow = slot * SL

        @pl.when(g >= NBUF)
        def _():
            pltpu.make_async_copy(
                out.at[pl.ds(0, SL), :],
                ring_v.at[pl.ds(0, SL), :], out_sem).wait()

        @plsc.parallel_loop(0, SL, unroll=8)
        def _row(l):
            row = srow + l
            half = l // L
            it = idx_t_v[pl.ds(g * SL + half * L, L)]
            ic = idx_c_v[pl.ds(g * SL + half * L, L)] + C_ROW
            ig = idx_g_v[pl.ds(g * SL + half * L, L)] + G_ROW
            n0v = n0_v[pl.ds(g * SL + half * L, L)]
            n1v = n1_v[pl.ds(g * SL + half * L, L)]
            n2v = n2_v[pl.ds(g * SL + half * L, L)]
            lsplat = jnp.broadcast_to(lax.rem(l, L), (L,))
            tb = it.at[lsplat].get(mode="promise_in_bounds")
            cb = ic.at[lsplat].get(mode="promise_in_bounds")
            gb = ig.at[lsplat].get(mode="promise_in_bounds")
            n0 = n0v.at[lsplat].get(mode="promise_in_bounds")
            n1 = n1v.at[lsplat].get(mode="promise_in_bounds")
            n2 = n2v.at[lsplat].get(mode="promise_in_bounds")
            for dg in range(4):
                ring_v[row, pl.ds(dg * L, L)] = \
                    plsc.load_gather(tab_v, [tb, dgc[dg]])
                ring_v[row, pl.ds(D + dg * L, L)] = \
                    plsc.load_gather(tab_v, [cb, dgc[dg]])
                ring_v[row, pl.ds(2 * D + dg * L, L)] = \
                    plsc.load_gather(tab_v, [gb, dgc[dg]])
                acc = bvecs[dg] + n0 * wvecs[0][dg] + n1 * wvecs[1][dg] \
                    + n2 * wvecs[2][dg]
                ring_v[row, pl.ds(3 * D + dg * L, L)] = acc

        pltpu.async_copy(ring_v.at[pl.ds(srow, SL), :],
                         out.at[pl.ds(r0 + g * SL, SL), :], out_sem)
        return carry

    lax.fori_loop(0, G, group, 0)
    pltpu.make_async_copy(out.at[pl.ds(0, NBUF * SL), :], ring_v,
                          out_sem).wait()


def kernel(type_idx, category_idx, target_idx, numerical, type_table,
           category_table, target_table, W, b):
    n0c, n1c, n2c = numerical[:, 0], numerical[:, 1], numerical[:, 2]
    mesh = plsc.VectorSubcoreMesh(core_axis_name="c", subcore_axis_name="s")
    k = pl.kernel(
        _body,
        out_type=jax.ShapeDtypeStruct((B, 4 * D), jnp.float32),
        mesh=mesh,
        compiler_params=pltpu.CompilerParams(use_tc_tiling_on_sc=True,
                                             needs_layout_passes=False),
        scratch_types=[
            pltpu.VMEM((RW,), jnp.int32),
            pltpu.VMEM((RW,), jnp.int32),
            pltpu.VMEM((RW,), jnp.int32),
            pltpu.VMEM((RW,), jnp.float32),
            pltpu.VMEM((RW,), jnp.float32),
            pltpu.VMEM((RW,), jnp.float32),
            pltpu.VMEM((36, D), jnp.float32),
            pltpu.VMEM((3, D), jnp.float32),
            pltpu.VMEM((D,), jnp.float32),
            pltpu.VMEM((NBUF * SL, 4 * D), jnp.float32),
            pltpu.SemaphoreType.DMA,
            pltpu.SemaphoreType.DMA,
        ],
    )
    return k(type_idx, category_idx, target_idx, n0c, n1c, n2c, type_table,
             category_table, target_table, W, b)

# --- scband reference (transcript-rebuilt; emitter-appended) ---
"""Pipeline reference for scband-move-embedding-7310034337821 (READ-ONLY COPY).

The authoritative reference and input builder live on the scoring server;
editing this copy changes nothing except your own understanding.
"""

import jax, jax.numpy as jnp
import numpy as np

B = 16384
D = 64

def setup_inputs(seed: int = 0) -> dict:
    key = jax.random.key(seed)
    ks = jax.random.split(key, 9)
    type_idx = jax.random.randint(ks[0], (B,), 0, 18)
    category_idx = jax.random.randint(ks[1], (B,), 0, 3)
    target_idx = jax.random.randint(ks[2], (B,), 0, 15)
    numerical = jax.random.uniform(ks[3], (B, 3), dtype=jnp.float32) * 100.0
    type_table = jax.random.normal(ks[4], (18, D), dtype=jnp.float32)
    category_table = jax.random.normal(ks[5], (3, D), dtype=jnp.float32)
    target_table = jax.random.normal(ks[6], (15, D), dtype=jnp.float32)
    W = jax.random.normal(ks[7], (3, D), dtype=jnp.float32) * (1.0 / np.sqrt(3.0))
    b = jax.random.normal(ks[8], (D,), dtype=jnp.float32) * 0.01
    return {"type_idx": type_idx, "category_idx": category_idx, "target_idx": target_idx,
            "numerical": numerical, "type_table": type_table, "category_table": category_table,
            "target_table": target_table, "W": W, "b": b}

def reference(type_idx, category_idx, target_idx, numerical, type_table, category_table, target_table, W, b):
    # Batched version of MoveEmbedding.forward: three embedding gathers + linear on numericals, concat.
    type_embed = jnp.take(type_table, type_idx, axis=0)
    category_embed = jnp.take(category_table, category_idx, axis=0)
    target_embed = jnp.take(target_table, target_idx, axis=0)
    numerical_embed = numerical @ W + b
    final_embed = jnp.concatenate((type_embed, category_embed, target_embed, numerical_embed), axis=-1)
    return final_embed

if __name__ == "__main__":
    import jax
    _d = setup_inputs()
    print(jax.jit(kernel)(*tuple(_d.values())))

</pallas_src>

<mosaic_0001>
#map = affine_map<(d0, d1) -> (0)>
#map1 = affine_map<(d0, d1) -> (0, 0)>
module attributes {stable_mosaic.version = 14 : i64} {
  func.func @_body(%arg0: i32, %arg1: i32, %arg2: memref<16384xi32, #tpu.memory_space<hbm>>, %arg3: memref<16384xi32, #tpu.memory_space<hbm>>, %arg4: memref<16384xi32, #tpu.memory_space<hbm>>, %arg5: memref<16384xf32, #tpu.memory_space<hbm>>, %arg6: memref<16384xf32, #tpu.memory_space<hbm>>, %arg7: memref<16384xf32, #tpu.memory_space<hbm>>, %arg8: memref<18x64xf32, #tpu.memory_space<hbm>>, %arg9: memref<3x64xf32, #tpu.memory_space<hbm>>, %arg10: memref<15x64xf32, #tpu.memory_space<hbm>>, %arg11: memref<3x64xf32, #tpu.memory_space<hbm>>, %arg12: memref<64xf32, #tpu.memory_space<hbm>>, %arg13: memref<16384x256xf32, #tpu.memory_space<hbm>>, %arg14: memref<512xi32, #tpu.memory_space<vmem>>, %arg15: memref<512xi32, #tpu.memory_space<vmem>>, %arg16: memref<512xi32, #tpu.memory_space<vmem>>, %arg17: memref<512xf32, #tpu.memory_space<vmem>>, %arg18: memref<512xf32, #tpu.memory_space<vmem>>, %arg19: memref<512xf32, #tpu.memory_space<vmem>>, %arg20: memref<36x64xf32, #tpu.memory_space<vmem>>, %arg21: memref<3x64xf32, #tpu.memory_space<vmem>>, %arg22: memref<64xf32, #tpu.memory_space<vmem>>, %arg23: memref<128x256xf32, #tpu.memory_space<vmem>>, %arg24: memref<!tpu.dma_semaphore, #tpu.memory_space<semaphore_mem>>, %arg25: memref<!tpu.dma_semaphore, #tpu.memory_space<semaphore_mem>>) attributes {dimension_semantics = [#tpu.dimension_semantics<core_parallel>, #tpu.dimension_semantics<subcore_parallel>], iteration_bounds = array<i64: 2, 16>, scalar_prefetch = 0 : i64, scratch_operands = 12 : i64, tpu.core_type = #tpu.core_type<sc_vector_subcore>, window_params = [{transform_indices = #map}, {transform_indices = #map}, {transform_indices = #map}, {transform_indices = #map}, {transform_indices = #map}, {transform_indices = #map}, {transform_indices = #map1}, {transform_indices = #map1}, {transform_indices = #map1}, {transform_indices = #map1}, {transform_indices = #map}, {transform_indices = #map1}]} {
    %mul3A = arith.constant 2 : i32
    %mul3A_0 = arith.muli %arg1, %mul3A : i32
    %add3A = arith.addi %mul3A_0, %arg0 : i32
    %mul3A_1 = arith.constant 512 : i32
    %mul3A_2 = arith.muli %add3A, %mul3A_1 : i32
    %dma_start3A = tpu.memref_slice %arg2[%mul3A_2] : memref<16384xi32, #tpu.memory_space<hbm>> -> memref<512xi32, #tpu.memory_space<hbm>>
    %dma_start3A_3 = tpu.memref_slice %arg2[%mul3A_2] : memref<16384xi32, #tpu.memory_space<hbm>> -> memref<512xi32, #tpu.memory_space<hbm>>
    tpu.enqueue_dma source(%dma_start3A_3 : memref<512xi32, #tpu.memory_space<hbm>>) target(%arg14 : memref<512xi32, #tpu.memory_space<vmem>>) target_semaphore(%arg24 : memref<!tpu.dma_semaphore, #tpu.memory_space<semaphore_mem>>)
    %dma_start3A_4 = tpu.memref_slice %arg3[%mul3A_2] : memref<16384xi32, #tpu.memory_space<hbm>> -> memref<512xi32, #tpu.memory_space<hbm>>
    %dma_start3A_5 = tpu.memref_slice %arg3[%mul3A_2] : memref<16384xi32, #tpu.memory_space<hbm>> -> memref<512xi32, #tpu.memory_space<hbm>>
    tpu.enqueue_dma source(%dma_start3A_5 : memref<512xi32, #tpu.memory_space<hbm>>) target(%arg15 : memref<512xi32, #tpu.memory_space<vmem>>) target_semaphore(%arg24 : memref<!tpu.dma_semaphore, #tpu.memory_space<semaphore_mem>>)
    %dma_start3A_6 = tpu.memref_slice %arg4[%mul3A_2] : memref<16384xi32, #tpu.memory_space<hbm>> -> memref<512xi32, #tpu.memory_space<hbm>>
    %dma_start3A_7 = tpu.memref_slice %arg4[%mul3A_2] : memref<16384xi32, #tpu.memory_space<hbm>> -> memref<512xi32, #tpu.memory_space<hbm>>
    tpu.enqueue_dma source(%dma_start3A_7 : memref<512xi32, #tpu.memory_space<hbm>>) target(%arg16 : memref<512xi32, #tpu.memory_space<vmem>>) target_semaphore(%arg24 : memref<!tpu.dma_semaphore, #tpu.memory_space<semaphore_mem>>)
    %dma_start3A_8 = tpu.memref_slice %arg5[%mul3A_2] : memref<16384xf32, #tpu.memory_space<hbm>> -> memref<512xf32, #tpu.memory_space<hbm>>
    %dma_start3A_9 = tpu.memref_slice %arg5[%mul3A_2] : memref<16384xf32, #tpu.memory_space<hbm>> -> memref<512xf32, #tpu.memory_space<hbm>>
    tpu.enqueue_dma source(%dma_start3A_9 : memref<512xf32, #tpu.memory_space<hbm>>) target(%arg17 : memref<512xf32, #tpu.memory_space<vmem>>) target_semaphore(%arg24 : memref<!tpu.dma_semaphore, #tpu.memory_space<semaphore_mem>>)
    %dma_start3A_10 = tpu.memref_slice %arg6[%mul3A_2] : memref<16384xf32, #tpu.memory_space<hbm>> -> memref<512xf32, #tpu.memory_space<hbm>>
    %dma_start3A_11 = tpu.memref_slice %arg6[%mul3A_2] : memref<16384xf32, #tpu.memory_space<hbm>> -> memref<512xf32, #tpu.memory_space<hbm>>
    tpu.enqueue_dma source(%dma_start3A_11 : memref<512xf32, #tpu.memory_space<hbm>>) target(%arg18 : memref<512xf32, #tpu.memory_space<vmem>>) target_semaphore(%arg24 : memref<!tpu.dma_semaphore, #tpu.memory_space<semaphore_mem>>)
    %dma_start3A_12 = tpu.memref_slice %arg7[%mul3A_2] : memref<16384xf32, #tpu.memory_space<hbm>> -> memref<512xf32, #tpu.memory_space<hbm>>
    %dma_start3A_13 = tpu.memref_slice %arg7[%mul3A_2] : memref<16384xf32, #tpu.memory_space<hbm>> -> memref<512xf32, #tpu.memory_space<hbm>>
    tpu.enqueue_dma source(%dma_start3A_13 : memref<512xf32, #tpu.memory_space<hbm>>) target(%arg19 : memref<512xf32, #tpu.memory_space<vmem>>) target_semaphore(%arg24 : memref<!tpu.dma_semaphore, #tpu.memory_space<semaphore_mem>>)
    %dma_start3A_14 = arith.constant 0 : i32
    %dma_start3A_15 = arith.constant 0 : i32
    %dma_start3A_16 = tpu.memref_slice %arg20[%dma_start3A_14, %dma_start3A_15] : memref<36x64xf32, #tpu.memory_space<vmem>> -> memref<18x64xf32, #tpu.memory_space<vmem>>
    %dma_start3A_17 = arith.constant 0 : i32
    %dma_start3A_18 = arith.constant 0 : i32
    %dma_start3A_19 = tpu.memref_slice %arg20[%dma_start3A_17, %dma_start3A_18] : memref<36x64xf32, #tpu.memory_space<vmem>> -> memref<18x64xf32, #tpu.memory_space<vmem>>
    tpu.enqueue_dma source(%arg8 : memref<18x64xf32, #tpu.memory_space<hbm>>) target(%dma_start3A_19 : memref<18x64xf32, #tpu.memory_space<vmem>>) target_semaphore(%arg24 : memref<!tpu.dma_semaphore, #tpu.memory_space<semaphore_mem>>)
    %dma_start3A_20 = arith.constant 18 : i32
    %dma_start3A_21 = arith.constant 0 : i32
    %dma_start3A_22 = tpu.memref_slice %arg20[%dma_start3A_20, %dma_start3A_21] : memref<36x64xf32, #tpu.memory_space<vmem>> -> memref<3x64xf32, #tpu.memory_space<vmem>>
    %dma_start3A_23 = arith.constant 18 : i32
    %dma_start3A_24 = arith.constant 0 : i32
    %dma_start3A_25 = tpu.memref_slice %arg20[%dma_start3A_23, %dma_start3A_24] : memref<36x64xf32, #tpu.memory_space<vmem>> -> memref<3x64xf32, #tpu.memory_space<vmem>>
    tpu.enqueue_dma source(%arg9 : memref<3x64xf32, #tpu.memory_space<hbm>>) target(%dma_start3A_25 : memref<3x64xf32, #tpu.memory_space<vmem>>) target_semaphore(%arg24 : memref<!tpu.dma_semaphore, #tpu.memory_space<semaphore_mem>>)
    %dma_start3A_26 = arith.constant 21 : i32
    %dma_start3A_27 = arith.constant 0 : i32
    %dma_start3A_28 = tpu.memref_slice %arg20[%dma_start3A_26, %dma_start3A_27] : memref<36x64xf32, #tpu.memory_space<vmem>> -> memref<15x64xf32, #tpu.memory_space<vmem>>
    %dma_start3A_29 = arith.constant 21 : i32
    %dma_start3A_30 = arith.constant 0 : i32
    %dma_start3A_31 = tpu.memref_slice %arg20[%dma_start3A_29, %dma_start3A_30] : memref<36x64xf32, #tpu.memory_space<vmem>> -> memref<15x64xf32, #tpu.memory_space<vmem>>
    tpu.enqueue_dma source(%arg10 : memref<15x64xf32, #tpu.memory_space<hbm>>) target(%dma_start3A_31 : memref<15x64xf32, #tpu.memory_space<vmem>>) target_semaphore(%arg24 : memref<!tpu.dma_semaphore, #tpu.memory_space<semaphore_mem>>)
    tpu.enqueue_dma source(%arg11 : memref<3x64xf32, #tpu.memory_space<hbm>>) target(%arg21 : memref<3x64xf32, #tpu.memory_space<vmem>>) target_semaphore(%arg24 : memref<!tpu.dma_semaphore, #tpu.memory_space<semaphore_mem>>)
    tpu.enqueue_dma source(%arg12 : memref<64xf32, #tpu.memory_space<hbm>>) target(%arg22 : memref<64xf32, #tpu.memory_space<vmem>>) target_semaphore(%arg24 : memref<!tpu.dma_semaphore, #tpu.memory_space<semaphore_mem>>)
    %dma_wait3A = tpu.memref_slice %arg2[%mul3A_2] : memref<16384xi32, #tpu.memory_space<hbm>> -> memref<512xi32, #tpu.memory_space<hbm>>
    %dma_wait3A_32 = tpu.memref_slice %arg2[%mul3A_2] : memref<16384xi32, #tpu.memory_space<hbm>> -> memref<512xi32, #tpu.memory_space<hbm>>
    tpu.wait_dma2 semaphore(%arg24 : memref<!tpu.dma_semaphore, #tpu.memory_space<semaphore_mem>>) src(%dma_wait3A_32 : memref<512xi32, #tpu.memory_space<hbm>>) dst(%arg14 : memref<512xi32, #tpu.memory_space<vmem>>)
    %dma_wait3A_33 = tpu.memref_slice %arg3[%mul3A_2] : memref<16384xi32, #tpu.memory_space<hbm>> -> memref<512xi32, #tpu.memory_space<hbm>>
    %dma_wait3A_34 = tpu.memref_slice %arg3[%mul3A_2] : memref<16384xi32, #tpu.memory_space<hbm>> -> memref<512xi32, #tpu.memory_space<hbm>>
    tpu.wait_dma2 semaphore(%arg24 : memref<!tpu.dma_semaphore, #tpu.memory_space<semaphore_mem>>) src(%dma_wait3A_34 : memref<512xi32, #tpu.memory_space<hbm>>) dst(%arg15 : memref<512xi32, #tpu.memory_space<vmem>>)
    %dma_wait3A_35 = tpu.memref_slice %arg4[%mul3A_2] : memref<16384xi32, #tpu.memory_space<hbm>> -> memref<512xi32, #tpu.memory_space<hbm>>
    %dma_wait3A_36 = tpu.memref_slice %arg4[%mul3A_2] : memref<16384xi32, #tpu.memory_space<hbm>> -> memref<512xi32, #tpu.memory_space<hbm>>
    tpu.wait_dma2 semaphore(%arg24 : memref<!tpu.dma_semaphore, #tpu.memory_space<semaphore_mem>>) src(%dma_wait3A_36 : memref<512xi32, #tpu.memory_space<hbm>>) dst(%arg16 : memref<512xi32, #tpu.memory_space<vmem>>)
    %dma_wait3A_37 = tpu.memref_slice %arg5[%mul3A_2] : memref<16384xf32, #tpu.memory_space<hbm>> -> memref<512xf32, #tpu.memory_space<hbm>>
    %dma_wait3A_38 = tpu.memref_slice %arg5[%mul3A_2] : memref<16384xf32, #tpu.memory_space<hbm>> -> memref<512xf32, #tpu.memory_space<hbm>>
    tpu.wait_dma2 semaphore(%arg24 : memref<!tpu.dma_semaphore, #tpu.memory_space<semaphore_mem>>) src(%dma_wait3A_38 : memref<512xf32, #tpu.memory_space<hbm>>) dst(%arg17 : memref<512xf32, #tpu.memory_space<vmem>>)
    %dma_wait3A_39 = tpu.memref_slice %arg6[%mul3A_2] : memref<16384xf32, #tpu.memory_space<hbm>> -> memref<512xf32, #tpu.memory_space<hbm>>
    %dma_wait3A_40 = tpu.memref_slice %arg6[%mul3A_2] : memref<16384xf32, #tpu.memory_space<hbm>> -> memref<512xf32, #tpu.memory_space<hbm>>
    tpu.wait_dma2 semaphore(%arg24 : memref<!tpu.dma_semaphore, #tpu.memory_space<semaphore_mem>>) src(%dma_wait3A_40 : memref<512xf32, #tpu.memory_space<hbm>>) dst(%arg18 : memref<512xf32, #tpu.memory_space<vmem>>)
    %dma_wait3A_41 = tpu.memref_slice %arg7[%mul3A_2] : memref<16384xf32, #tpu.memory_space<hbm>> -> memref<512xf32, #tpu.memory_space<hbm>>
    %dma_wait3A_42 = tpu.memref_slice %arg7[%mul3A_2] : memref<16384xf32, #tpu.memory_space<hbm>> -> memref<512xf32, #tpu.memory_space<hbm>>
    tpu.wait_dma2 semaphore(%arg24 : memref<!tpu.dma_semaphore, #tpu.memory_space<semaphore_mem>>) src(%dma_wait3A_42 : memref<512xf32, #tpu.memory_space<hbm>>) dst(%arg19 : memref<512xf32, #tpu.memory_space<vmem>>)
    %dma_wait3A_43 = arith.constant 0 : i32
    %dma_wait3A_44 = arith.constant 0 : i32
    %dma_wait3A_45 = tpu.memref_slice %arg20[%dma_wait3A_43, %dma_wait3A_44] : memref<36x64xf32, #tpu.memory_space<vmem>> -> memref<18x64xf32, #tpu.memory_space<vmem>>
    %dma_wait3A_46 = arith.constant 0 : i32
    %dma_wait3A_47 = arith.constant 0 : i32
    %dma_wait3A_48 = tpu.memref_slice %arg20[%dma_wait3A_46, %dma_wait3A_47] : memref<36x64xf32, #tpu.memory_space<vmem>> -> memref<18x64xf32, #tpu.memory_space<vmem>>
    tpu.wait_dma2 semaphore(%arg24 : memref<!tpu.dma_semaphore, #tpu.memory_space<semaphore_mem>>) src(%arg8 : memref<18x64xf32, #tpu.memory_space<hbm>>) dst(%dma_wait3A_48 : memref<18x64xf32, #tpu.memory_space<vmem>>)
    %dma_wait3A_49 = arith.constant 18 : i32
    %dma_wait3A_50 = arith.constant 0 : i32
    %dma_wait3A_51 = tpu.memref_slice %arg20[%dma_wait3A_49, %dma_wait3A_50] : memref<36x64xf32, #tpu.memory_space<vmem>> -> memref<3x64xf32, #tpu.memory_space<vmem>>
    %dma_wait3A_52 = arith.constant 18 : i32
    %dma_wait3A_53 = arith.constant 0 : i32
    %dma_wait3A_54 = tpu.memref_slice %arg20[%dma_wait3A_52, %dma_wait3A_53] : memref<36x64xf32, #tpu.memory_space<vmem>> -> memref<3x64xf32, #tpu.memory_space<vmem>>
    tpu.wait_dma2 semaphore(%arg24 : memref<!tpu.dma_semaphore, #tpu.memory_space<semaphore_mem>>) src(%arg9 : memref<3x64xf32, #tpu.memory_space<hbm>>) dst(%dma_wait3A_54 : memref<3x64xf32, #tpu.memory_space<vmem>>)
    %dma_wait3A_55 = arith.constant 21 : i32
    %dma_wait3A_56 = arith.constant 0 : i32
    %dma_wait3A_57 = tpu.memref_slice %arg20[%dma_wait3A_55, %dma_wait3A_56] : memref<36x64xf32, #tpu.memory_space<vmem>> -> memref<15x64xf32, #tpu.memory_space<vmem>>
    %dma_wait3A_58 = arith.constant 21 : i32
    %dma_wait3A_59 = arith.constant 0 : i32
    %dma_wait3A_60 = tpu.memref_slice %arg20[%dma_wait3A_58, %dma_wait3A_59] : memref<36x64xf32, #tpu.memory_space<vmem>> -> memref<15x64xf32, #tpu.memory_space<vmem>>
    tpu.wait_dma2 semaphore(%arg24 : memref<!tpu.dma_semaphore, #tpu.memory_space<semaphore_mem>>) src(%arg10 : memref<15x64xf32, #tpu.memory_space<hbm>>) dst(%dma_wait3A_60 : memref<15x64xf32, #tpu.memory_space<vmem>>)
    tpu.wait_dma2 semaphore(%arg24 : memref<!tpu.dma_semaphore, #tpu.memory_space<semaphore_mem>>) src(%arg11 : memref<3x64xf32, #tpu.memory_space<hbm>>) dst(%arg21 : memref<3x64xf32, #tpu.memory_space<vmem>>)
    tpu.wait_dma2 semaphore(%arg24 : memref<!tpu.dma_semaphore, #tpu.memory_space<semaphore_mem>>) src(%arg12 : memref<64xf32, #tpu.memory_space<hbm>>) dst(%arg22 : memref<64xf32, #tpu.memory_space<vmem>>)
    %get3A = arith.constant 0 : i32
    %get3A_61 = arith.index_cast %get3A : i32 to index
    %get3A_62 = arith.constant 0 : index
    %get3A_63 = tpu.vector_load %arg21[%get3A_61, %get3A_62] {strides = array<i32>} : memref<3x64xf32, #tpu.memory_space<vmem>>, vector<16xf32>,
    %get3A_64 = arith.constant 0 : i32
    %get3A_65 = arith.index_cast %get3A_64 : i32 to index
    %get3A_66 = arith.constant 16 : index
    %get3A_67 = tpu.vector_load %arg21[%get3A_65, %get3A_66] {strides = array<i32>} : memref<3x64xf32, #tpu.memory_space<vmem>>, vector<16xf32>,
    %get3A_68 = arith.constant 0 : i32
    %get3A_69 = arith.index_cast %get3A_68 : i32 to index
    %get3A_70 = arith.constant 32 : index
    %get3A_71 = tpu.vector_load %arg21[%get3A_69, %get3A_70] {strides = array<i32>} : memref<3x64xf32, #tpu.memory_space<vmem>>, vector<16xf32>,
    %get3A_72 = arith.constant 0 : i32
    %get3A_73 = arith.index_cast %get3A_72 : i32 to index
    %get3A_74 = arith.constant 48 : index
    %get3A_75 = tpu.vector_load %arg21[%get3A_73, %get3A_74] {strides = array<i32>} : memref<3x64xf32, #tpu.memory_space<vmem>>, vector<16xf32>,
    %get3A_76 = arith.constant 1 : i32
    %get3A_77 = arith.index_cast %get3A_76 : i32 to index
    %get3A_78 = arith.constant 0 : index
    %get3A_79 = tpu.vector_load %arg21[%get3A_77, %get3A_78] {strides = array<i32>} : memref<3x64xf32, #tpu.memory_space<vmem>>, vector<16xf32>,
    %get3A_80 = arith.constant 1 : i32
    %get3A_81 = arith.index_cast %get3A_80 : i32 to index
    %get3A_82 = arith.constant 16 : index
    %get3A_83 = tpu.vector_load %arg21[%get3A_81, %get3A_82] {strides = array<i32>} : memref<3x64xf32, #tpu.memory_space<vmem>>, vector<16xf32>,
    %get3A_84 = arith.constant 1 : i32
    %get3A_85 = arith.index_cast %get3A_84 : i32 to index
    %get3A_86 = arith.constant 32 : index
    %get3A_87 = tpu.vector_load %arg21[%get3A_85, %get3A_86] {strides = array<i32>} : memref<3x64xf32, #tpu.memory_space<vmem>>, vector<16xf32>,
    %get3A_88 = arith.constant 1 : i32
    %get3A_89 = arith.index_cast %get3A_88 : i32 to index
    %get3A_90 = arith.constant 48 : index
    %get3A_91 = tpu.vector_load %arg21[%get3A_89, %get3A_90] {strides = array<i32>} : memref<3x64xf32, #tpu.memory_space<vmem>>, vector<16xf32>,
    %get3A_92 = arith.constant 2 : i32
    %get3A_93 = arith.index_cast %get3A_92 : i32 to index
    %get3A_94 = arith.constant 0 : index
    %get3A_95 = tpu.vector_load %arg21[%get3A_93, %get3A_94] {strides = array<i32>} : memref<3x64xf32, #tpu.memory_space<vmem>>, vector<16xf32>,
    %get3A_96 = arith.constant 2 : i32
    %get3A_97 = arith.index_cast %get3A_96 : i32 to index
    %get3A_98 = arith.constant 16 : index
    %get3A_99 = tpu.vector_load %arg21[%get3A_97, %get3A_98] {strides = array<i32>} : memref<3x64xf32, #tpu.memory_space<vmem>>, vector<16xf32>,
    %get3A_100 = arith.constant 2 : i32
    %get3A_101 = arith.index_cast %get3A_100 : i32 to index
    %get3A_102 = arith.constant 32 : index
    %get3A_103 = tpu.vector_load %arg21[%get3A_101, %get3A_102] {strides = array<i32>} : memref<3x64xf32, #tpu.memory_space<vmem>>, vector<16xf32>,
    %get3A_104 = arith.constant 2 : i32
    %get3A_105 = arith.index_cast %get3A_104 : i32 to index
    %get3A_106 = arith.constant 48 : index
    %get3A_107 = tpu.vector_load %arg21[%get3A_105, %get3A_106] {strides = array<i32>} : memref<3x64xf32, #tpu.memory_space<vmem>>, vector<16xf32>,
    %get3A_108 = arith.constant 0 : index
    %get3A_109 = tpu.vector_load %arg22[%get3A_108] {strides = array<i32>} : memref<64xf32, #tpu.memory_space<vmem>>, vector<16xf32>,
    %get3A_110 = arith.constant 16 : index
    %get3A_111 = tpu.vector_load %arg22[%get3A_110] {strides = array<i32>} : memref<64xf32, #tpu.memory_space<vmem>>, vector<16xf32>,
    %get3A_112 = arith.constant 32 : index
    %get3A_113 = tpu.vector_load %arg22[%get3A_112] {strides = array<i32>} : memref<64xf32, #tpu.memory_space<vmem>>, vector<16xf32>,
    %get3A_114 = arith.constant 48 : index
    %get3A_115 = tpu.vector_load %arg22[%get3A_114] {strides = array<i32>} : memref<64xf32, #tpu.memory_space<vmem>>, vector<16xf32>,
    %iota3A = tpu.iota {dimensions = array<i32: 0>} : vector<16xi32>
    %add3A_116 = arith.constant 0 : i32
    %add3A_117 = vector.broadcast %add3A_116 : i32 to vector<16xi32>
    %add3A_118 = arith.addi %iota3A, %add3A_117 : vector<16xi32>
    %add3A_119 = arith.constant 16 : i32
    %add3A_120 = vector.broadcast %add3A_119 : i32 to vector<16xi32>
    %add3A_121 = arith.addi %iota3A, %add3A_120 : vector<16xi32>
    %add3A_122 = arith.constant 32 : i32
    %add3A_123 = vector.broadcast %add3A_122 : i32 to vector<16xi32>
    %add3A_124 = arith.addi %iota3A, %add3A_123 : vector<16xi32>
    %add3A_125 = arith.constant 48 : i32
    %add3A_126 = vector.broadcast %add3A_125 : i32 to vector<16xi32>
    %add3A_127 = arith.addi %iota3A, %add3A_126 : vector<16xi32>
    %scan3A = arith.constant 0 : i32
    %scan3A_128 = arith.constant 0 : i32
    %scan3A_129 = arith.constant 16 : i32
    %scan3A_130 = arith.addi %scan3A_128, %scan3A_129 : i32
    %scan3A_131 = arith.constant 1 : i32
    scf.for %scan3A_139 = %scan3A_128 to %scan3A_130 step %scan3A_131  : i32 {
      %rem3A = arith.constant 4 : i32
      %rem3A_140 = arith.remsi %scan3A_139, %rem3A : i32
      %mul3A_141 = arith.constant 32 : i32
      %mul3A_142 = arith.muli %rem3A_140, %mul3A_141 : i32
      %ge3A = arith.constant 4 : i32
      %ge3A_143 = arith.cmpi sge, %scan3A_139, %ge3A : i32
      %convert_element_type3A = arith.extui %ge3A_143 : i1 to i32
      %cond3A = arith.constant 0 : i32
      %cond3A_144 = arith.cmpi ne, %convert_element_type3A, %cond3A : i32
      scf.if %cond3A_144 {
        %dma_wait3A_158 = arith.constant 0 : i32
        %dma_wait3A_159 = arith.constant 0 : i32
        %dma_wait3A_160 = tpu.memref_slice %arg23[%dma_wait3A_158, %dma_wait3A_159] : memref<128x256xf32, #tpu.memory_space<vmem>> -> memref<32x256xf32, #tpu.memory_space<vmem>>
        %dma_wait3A_161 = arith.constant 0 : i32
        %dma_wait3A_162 = arith.constant 0 : i32
        %dma_wait3A_163 = tpu.memref_slice %arg13[%dma_wait3A_161, %dma_wait3A_162] : memref<16384x256xf32, #tpu.memory_space<hbm>> -> memref<32x256xf32, #tpu.memory_space<hbm>>
        %dma_wait3A_164 = arith.constant 0 : i32
        %dma_wait3A_165 = arith.constant 0 : i32
        %dma_wait3A_166 = tpu.memref_slice %arg23[%dma_wait3A_164, %dma_wait3A_165] : memref<128x256xf32, #tpu.memory_space<vmem>> -> memref<32x256xf32, #tpu.memory_space<vmem>>
        %dma_wait3A_167 = arith.constant 0 : i32
        %dma_wait3A_168 = arith.constant 0 : i32
        %dma_wait3A_169 = tpu.memref_slice %arg13[%dma_wait3A_167, %dma_wait3A_168] : memref<16384x256xf32, #tpu.memory_space<hbm>> -> memref<32x256xf32, #tpu.memory_space<hbm>>
        tpu.wait_dma2 semaphore(%arg25 : memref<!tpu.dma_semaphore, #tpu.memory_space<semaphore_mem>>) src(%dma_wait3A_169 : memref<32x256xf32, #tpu.memory_space<hbm>>) dst(%dma_wait3A_166 : memref<32x256xf32, #tpu.memory_space<vmem>>)
      } else {
      }
      %parallel_loop3A = arith.constant 0 : i32
      %parallel_loop3A_145 = arith.constant 32 : i32
      %parallel_loop3A_146 = arith.constant 1 : i32
      scf.for %parallel_loop3A_158 = %parallel_loop3A to %parallel_loop3A_145 step %parallel_loop3A_146  : i32 {
        %parallel_loop3A_159 = arith.addi %mul3A_142, %parallel_loop3A_158 : i32
        %parallel_loop3A_160 = arith.constant 16 : i32
        %parallel_loop3A_161 = arith.divsi %parallel_loop3A_158, %parallel_loop3A_160 : i32
        %parallel_loop3A_162 = arith.constant 0 : i32
        %parallel_loop3A_163 = arith.cmpi sgt, %parallel_loop3A_158, %parallel_loop3A_162 : i32
        %parallel_loop3A_164 = arith.extui %parallel_loop3A_163 : i1 to i32
        %parallel_loop3A_165 = arith.constant 0 : i32
        %parallel_loop3A_166 = arith.cmpi slt, %parallel_loop3A_158, %parallel_loop3A_165 : i32
        %parallel_loop3A_167 = arith.extui %parallel_loop3A_166 : i1 to i32
        %parallel_loop3A_168 = arith.subi %parallel_loop3A_164, %parallel_loop3A_167 : i32
        %parallel_loop3A_169 = arith.constant 0 : i32
        %parallel_loop3A_170 = arith.cmpi sgt, %parallel_loop3A_160, %parallel_loop3A_169 : i32
        %parallel_loop3A_171 = arith.extui %parallel_loop3A_170 : i1 to i32
        %parallel_loop3A_172 = arith.constant 0 : i32
        %parallel_loop3A_173 = arith.cmpi slt, %parallel_loop3A_160, %parallel_loop3A_172 : i32
        %parallel_loop3A_174 = arith.extui %parallel_loop3A_173 : i1 to i32
        %parallel_loop3A_175 = arith.subi %parallel_loop3A_171, %parallel_loop3A_174 : i32
        %parallel_loop3A_176 = arith.cmpi ne, %parallel_loop3A_168, %parallel_loop3A_175 : i32
        %parallel_loop3A_177 = arith.remsi %parallel_loop3A_158, %parallel_loop3A_160 : i32
        %parallel_loop3A_178 = arith.constant 0 : i32
        %parallel_loop3A_179 = arith.cmpi ne, %parallel_loop3A_177, %parallel_loop3A_178 : i32
        %parallel_loop3A_180 = arith.andi %parallel_loop3A_176, %parallel_loop3A_179 : i1
        %parallel_loop3A_181 = arith.constant 1 : i32
        %parallel_loop3A_182 = arith.subi %parallel_loop3A_161, %parallel_loop3A_181 : i32
        %parallel_loop3A_183 = arith.select %parallel_loop3A_180, %parallel_loop3A_182, %parallel_loop3A_161 : i32
        %parallel_loop3A_184 = arith.constant 32 : i32
        %parallel_loop3A_185 = arith.muli %scan3A_139, %parallel_loop3A_184 : i32
        %parallel_loop3A_186 = arith.constant 16 : i32
        %parallel_loop3A_187 = arith.muli %parallel_loop3A_183, %parallel_loop3A_186 : i32
        %parallel_loop3A_188 = arith.addi %parallel_loop3A_185, %parallel_loop3A_187 : i32
        %parallel_loop3A_189 = arith.index_cast %parallel_loop3A_188 : i32 to index
        %parallel_loop3A_190 = tpu.vector_load %arg14[%parallel_loop3A_189] {strides = array<i32>} : memref<512xi32, #tpu.memory_space<vmem>>, vector<16xi32>,
        %parallel_loop3A_191 = arith.constant 32 : i32
        %parallel_loop3A_192 = arith.muli %scan3A_139, %parallel_loop3A_191 : i32
        %parallel_loop3A_193 = arith.constant 16 : i32
        %parallel_loop3A_194 = arith.muli %parallel_loop3A_183, %parallel_loop3A_193 : i32
        %parallel_loop3A_195 = arith.addi %parallel_loop3A_192, %parallel_loop3A_194 : i32
        %parallel_loop3A_196 = arith.index_cast %parallel_loop3A_195 : i32 to index
        %parallel_loop3A_197 = tpu.vector_load %arg15[%parallel_loop3A_196] {strides = array<i32>} : memref<512xi32, #tpu.memory_space<vmem>>, vector<16xi32>,
        %parallel_loop3A_198 = arith.constant 18 : i32
        %parallel_loop3A_199 = vector.broadcast %parallel_loop3A_198 : i32 to vector<16xi32>
        %parallel_loop3A_200 = arith.addi %parallel_loop3A_197, %parallel_loop3A_199 : vector<16xi32>
        %parallel_loop3A_201 = arith.constant 32 : i32
        %parallel_loop3A_202 = arith.muli %scan3A_139, %parallel_loop3A_201 : i32
        %parallel_loop3A_203 = arith.constant 16 : i32
        %parallel_loop3A_204 = arith.muli %parallel_loop3A_183, %parallel_loop3A_203 : i32
        %parallel_loop3A_205 = arith.addi %parallel_loop3A_202, %parallel_loop3A_204 : i32
        %parallel_loop3A_206 = arith.index_cast %parallel_loop3A_205 : i32 to index
        %parallel_loop3A_207 = tpu.vector_load %arg16[%parallel_loop3A_206] {strides = array<i32>} : memref<512xi32, #tpu.memory_space<vmem>>, vector<16xi32>,
        %parallel_loop3A_208 = arith.constant 21 : i32
        %parallel_loop3A_209 = vector.broadcast %parallel_loop3A_208 : i32 to vector<16xi32>
        %parallel_loop3A_210 = arith.addi %parallel_loop3A_207, %parallel_loop3A_209 : vector<16xi32>
        %parallel_loop3A_211 = arith.constant 32 : i32
        %parallel_loop3A_212 = arith.muli %scan3A_139, %parallel_loop3A_211 : i32
        %parallel_loop3A_213 = arith.constant 16 : i32
        %parallel_loop3A_214 = arith.muli %parallel_loop3A_183, %parallel_loop3A_213 : i32
        %parallel_loop3A_215 = arith.addi %parallel_loop3A_212, %parallel_loop3A_214 : i32
        %parallel_loop3A_216 = arith.index_cast %parallel_loop3A_215 : i32 to index
        %parallel_loop3A_217 = tpu.vector_load %arg17[%parallel_loop3A_216] {strides = array<i32>} : memref<512xf32, #tpu.memory_space<vmem>>, vector<16xf32>,
        %parallel_loop3A_218 = arith.constant 32 : i32
        %parallel_loop3A_219 = arith.muli %scan3A_139, %parallel_loop3A_218 : i32
        %parallel_loop3A_220 = arith.constant 16 : i32
        %parallel_loop3A_221 = arith.muli %parallel_loop3A_183, %parallel_loop3A_220 : i32
        %parallel_loop3A_222 = arith.addi %parallel_loop3A_219, %parallel_loop3A_221 : i32
        %parallel_loop3A_223 = arith.index_cast %parallel_loop3A_222 : i32 to index
        %parallel_loop3A_224 = tpu.vector_load %arg18[%parallel_loop3A_223] {strides = array<i32>} : memref<512xf32, #tpu.memory_space<vmem>>, vector<16xf32>,
        %parallel_loop3A_225 = arith.constant 32 : i32
        %parallel_loop3A_226 = arith.muli %scan3A_139, %parallel_loop3A_225 : i32
        %parallel_loop3A_227 = arith.constant 16 : i32
        %parallel_loop3A_228 = arith.muli %parallel_loop3A_183, %parallel_loop3A_227 : i32
        %parallel_loop3A_229 = arith.addi %parallel_loop3A_226, %parallel_loop3A_228 : i32
        %parallel_loop3A_230 = arith.index_cast %parallel_loop3A_229 : i32 to index
        %parallel_loop3A_231 = tpu.vector_load %arg19[%parallel_loop3A_230] {strides = array<i32>} : memref<512xf32, #tpu.memory_space<vmem>>, vector<16xf32>,
        %parallel_loop3A_232 = arith.constant 16 : i32
        %parallel_loop3A_233 = arith.remsi %parallel_loop3A_158, %parallel_loop3A_232 : i32
        %parallel_loop3A_234 = vector.broadcast %parallel_loop3A_233 : i32 to vector<16xi32>
        %parallel_loop3A_235 = arith.constant 0 : i32
        %parallel_loop3A_236 = vector.broadcast %parallel_loop3A_235 : i32 to vector<16xi32>
        %parallel_loop3A_237 = arith.cmpi slt, %parallel_loop3A_234, %parallel_loop3A_236 : vector<16xi32>
        %parallel_loop3A_238 = arith.constant 16 : i32
        %parallel_loop3A_239 = vector.broadcast %parallel_loop3A_238 : i32 to vector<16xi32>
        %parallel_loop3A_240 = arith.addi %parallel_loop3A_234, %parallel_loop3A_239 : vector<16xi32>
        %parallel_loop3A_241 = arith.select %parallel_loop3A_237, %parallel_loop3A_240, %parallel_loop3A_234 : vector<16xi1>, vector<16xi32>
        %parallel_loop3A_242 = vector.shape_cast %parallel_loop3A_241 : vector<16xi32> to vector<16x1xi32>
        %parallel_loop3A_243 = vector.shape_cast %parallel_loop3A_242 : vector<16x1xi32> to vector<16xi32>
        %parallel_loop3A_244 = tpu.dynamic_gather %parallel_loop3A_190[%parallel_loop3A_243] in [0] : vector<16xi32>, vector<16xi32> -> vector<16xi32>
        %parallel_loop3A_245 = arith.constant 0 : i32
        %parallel_loop3A_246 = vector.broadcast %parallel_loop3A_245 : i32 to vector<16xi32>
        %parallel_loop3A_247 = arith.cmpi slt, %parallel_loop3A_234, %parallel_loop3A_246 : vector<16xi32>
        %parallel_loop3A_248 = arith.constant 16 : i32
        %parallel_loop3A_249 = vector.broadcast %parallel_loop3A_248 : i32 to vector<16xi32>
        %parallel_loop3A_250 = arith.addi %parallel_loop3A_234, %parallel_loop3A_249 : vector<16xi32>
        %parallel_loop3A_251 = arith.select %parallel_loop3A_247, %parallel_loop3A_250, %parallel_loop3A_234 : vector<16xi1>, vector<16xi32>
        %parallel_loop3A_252 = vector.shape_cast %parallel_loop3A_251 : vector<16xi32> to vector<16x1xi32>
        %parallel_loop3A_253 = vector.shape_cast %parallel_loop3A_252 : vector<16x1xi32> to vector<16xi32>
        %parallel_loop3A_254 = tpu.dynamic_gather %parallel_loop3A_200[%parallel_loop3A_253] in [0] : vector<16xi32>, vector<16xi32> -> vector<16xi32>
        %parallel_loop3A_255 = arith.constant 0 : i32
        %parallel_loop3A_256 = vector.broadcast %parallel_loop3A_255 : i32 to vector<16xi32>
        %parallel_loop3A_257 = arith.cmpi slt, %parallel_loop3A_234, %parallel_loop3A_256 : vector<16xi32>
        %parallel_loop3A_258 = arith.constant 16 : i32
        %parallel_loop3A_259 = vector.broadcast %parallel_loop3A_258 : i32 to vector<16xi32>
        %parallel_loop3A_260 = arith.addi %parallel_loop3A_234, %parallel_loop3A_259 : vector<16xi32>
        %parallel_loop3A_261 = arith.select %parallel_loop3A_257, %parallel_loop3A_260, %parallel_loop3A_234 : vector<16xi1>, vector<16xi32>
        %parallel_loop3A_262 = vector.shape_cast %parallel_loop3A_261 : vector<16xi32> to vector<16x1xi32>
        %parallel_loop3A_263 = vector.shape_cast %parallel_loop3A_262 : vector<16x1xi32> to vector<16xi32>
        %parallel_loop3A_264 = tpu.dynamic_gather %parallel_loop3A_210[%parallel_loop3A_263] in [0] : vector<16xi32>, vector<16xi32> -> vector<16xi32>
        %parallel_loop3A_265 = arith.constant 0 : i32
        %parallel_loop3A_266 = vector.broadcast %parallel_loop3A_265 : i32 to vector<16xi32>
        %parallel_loop3A_267 = arith.cmpi slt, %parallel_loop3A_234, %parallel_loop3A_266 : vector<16xi32>
        %parallel_loop3A_268 = arith.constant 16 : i32
        %parallel_loop3A_269 = vector.broadcast %parallel_loop3A_268 : i32 to vector<16xi32>
        %parallel_loop3A_270 = arith.addi %parallel_loop3A_234, %parallel_loop3A_269 : vector<16xi32>
        %parallel_loop3A_271 = arith.select %parallel_loop3A_267, %parallel_loop3A_270, %parallel_loop3A_234 : vector<16xi1>, vector<16xi32>
        %parallel_loop3A_272 = vector.shape_cast %parallel_loop3A_271 : vector<16xi32> to vector<16x1xi32>
        %parallel_loop3A_273 = vector.shape_cast %parallel_loop3A_272 : vector<16x1xi32> to vector<16xi32>
        %parallel_loop3A_274 = tpu.dynamic_gather %parallel_loop3A_217[%parallel_loop3A_273] in [0] : vector<16xf32>, vector<16xi32> -> vector<16xf32>
        %parallel_loop3A_275 = arith.constant 0 : i32
        %parallel_loop3A_276 = vector.broadcast %parallel_loop3A_275 : i32 to vector<16xi32>
        %parallel_loop3A_277 = arith.cmpi slt, %parallel_loop3A_234, %parallel_loop3A_276 : vector<16xi32>
        %parallel_loop3A_278 = arith.constant 16 : i32
        %parallel_loop3A_279 = vector.broadcast %parallel_loop3A_278 : i32 to vector<16xi32>
        %parallel_loop3A_280 = arith.addi %parallel_loop3A_234, %parallel_loop3A_279 : vector<16xi32>
        %parallel_loop3A_281 = arith.select %parallel_loop3A_277, %parallel_loop3A_280, %parallel_loop3A_234 : vector<16xi1>, vector<16xi32>
        %parallel_loop3A_282 = vector.shape_cast %parallel_loop3A_281 : vector<16xi32> to vector<16x1xi32>
        %parallel_loop3A_283 = vector.shape_cast %parallel_loop3A_282 : vector<16x1xi32> to vector<16xi32>
        %parallel_loop3A_284 = tpu.dynamic_gather %parallel_loop3A_224[%parallel_loop3A_283] in [0] : vector<16xf32>, vector<16xi32> -> vector<16xf32>
        %parallel_loop3A_285 = arith.constant 0 : i32
        %parallel_loop3A_286 = vector.broadcast %parallel_loop3A_285 : i32 to vector<16xi32>
        %parallel_loop3A_287 = arith.cmpi slt, %parallel_loop3A_234, %parallel_loop3A_286 : vector<16xi32>
        %parallel_loop3A_288 = arith.constant 16 : i32
        %parallel_loop3A_289 = vector.broadcast %parallel_loop3A_288 : i32 to vector<16xi32>
        %parallel_loop3A_290 = arith.addi %parallel_loop3A_234, %parallel_loop3A_289 : vector<16xi32>
        %parallel_loop3A_291 = arith.select %parallel_loop3A_287, %parallel_loop3A_290, %parallel_loop3A_234 : vector<16xi1>, vector<16xi32>
        %parallel_loop3A_292 = vector.shape_cast %parallel_loop3A_291 : vector<16xi32> to vector<16x1xi32>
        %parallel_loop3A_293 = vector.shape_cast %parallel_loop3A_292 : vector<16x1xi32> to vector<16xi32>
        %parallel_loop3A_294 = tpu.dynamic_gather %parallel_loop3A_231[%parallel_loop3A_293] in [0] : vector<16xf32>, vector<16xi32> -> vector<16xf32>
        %parallel_loop3A_295 = tpu.vector_load_idx %arg20[%parallel_loop3A_244, %add3A_118] : memref<36x64xf32, #tpu.memory_space<vmem>>[vector<16xi32>, vector<16xi32>], vector<16xf32>,
        %parallel_loop3A_296 = arith.index_cast %parallel_loop3A_159 : i32 to index
        %parallel_loop3A_297 = arith.constant 0 : index
        %parallel_loop3A_298 = tpu.vector_load %arg23[%parallel_loop3A_296, %parallel_loop3A_297] {strides = array<i32>} : memref<128x256xf32, #tpu.memory_space<vmem>>, vector<16xf32>,
        tpu.vector_store %arg23[%parallel_loop3A_296, %parallel_loop3A_297], %parallel_loop3A_295 {strides = array<i32>} : memref<128x256xf32, #tpu.memory_space<vmem>>, vector<16xf32>,
        %parallel_loop3A_299 = tpu.vector_load_idx %arg20[%parallel_loop3A_254, %add3A_118] : memref<36x64xf32, #tpu.memory_space<vmem>>[vector<16xi32>, vector<16xi32>], vector<16xf32>,
        %parallel_loop3A_300 = arith.index_cast %parallel_loop3A_159 : i32 to index
        %parallel_loop3A_301 = arith.constant 64 : index
        %parallel_loop3A_302 = tpu.vector_load %arg23[%parallel_loop3A_300, %parallel_loop3A_301] {strides = array<i32>} : memref<128x256xf32, #tpu.memory_space<vmem>>, vector<16xf32>,
        tpu.vector_store %arg23[%parallel_loop3A_300, %parallel_loop3A_301], %parallel_loop3A_299 {strides = array<i32>} : memref<128x256xf32, #tpu.memory_space<vmem>>, vector<16xf32>,
        %parallel_loop3A_303 = tpu.vector_load_idx %arg20[%parallel_loop3A_264, %add3A_118] : memref<36x64xf32, #tpu.memory_space<vmem>>[vector<16xi32>, vector<16xi32>], vector<16xf32>,
        %parallel_loop3A_304 = arith.index_cast %parallel_loop3A_159 : i32 to index
        %parallel_loop3A_305 = arith.constant 128 : index
        %parallel_loop3A_306 = tpu.vector_load %arg23[%parallel_loop3A_304, %parallel_loop3A_305] {strides = array<i32>} : memref<128x256xf32, #tpu.memory_space<vmem>>, vector<16xf32>,
        tpu.vector_store %arg23[%parallel_loop3A_304, %parallel_loop3A_305], %parallel_loop3A_303 {strides = array<i32>} : memref<128x256xf32, #tpu.memory_space<vmem>>, vector<16xf32>,
        %parallel_loop3A_307 = arith.mulf %parallel_loop3A_274, %get3A_63 : vector<16xf32>
        %parallel_loop3A_308 = arith.addf %get3A_109, %parallel_loop3A_307 : vector<16xf32>
        %parallel_loop3A_309 = arith.mulf %parallel_loop3A_284, %get3A_79 : vector<16xf32>
        %parallel_loop3A_310 = arith.addf %parallel_loop3A_308, %parallel_loop3A_309 : vector<16xf32>
        %parallel_loop3A_311 = arith.mulf %parallel_loop3A_294, %get3A_95 : vector<16xf32>
        %parallel_loop3A_312 = arith.addf %parallel_loop3A_310, %parallel_loop3A_311 : vector<16xf32>
        %parallel_loop3A_313 = arith.index_cast %parallel_loop3A_159 : i32 to index
        %parallel_loop3A_314 = arith.constant 192 : index
        %parallel_loop3A_315 = tpu.vector_load %arg23[%parallel_loop3A_313, %parallel_loop3A_314] {strides = array<i32>} : memref<128x256xf32, #tpu.memory_space<vmem>>, vector<16xf32>,
        tpu.vector_store %arg23[%parallel_loop3A_313, %parallel_loop3A_314], %parallel_loop3A_312 {strides = array<i32>} : memref<128x256xf32, #tpu.memory_space<vmem>>, vector<16xf32>,
        %parallel_loop3A_316 = tpu.vector_load_idx %arg20[%parallel_loop3A_244, %add3A_121] : memref<36x64xf32, #tpu.memory_space<vmem>>[vector<16xi32>, vector<16xi32>], vector<16xf32>,
        %parallel_loop3A_317 = arith.index_cast %parallel_loop3A_159 : i32 to index
        %parallel_loop3A_318 = arith.constant 16 : index
        %parallel_loop3A_319 = tpu.vector_load %arg23[%parallel_loop3A_317, %parallel_loop3A_318] {strides = array<i32>} : memref<128x256xf32, #tpu.memory_space<vmem>>, vector<16xf32>,
        tpu.vector_store %arg23[%parallel_loop3A_317, %parallel_loop3A_318], %parallel_loop3A_316 {strides = array<i32>} : memref<128x256xf32, #tpu.memory_space<vmem>>, vector<16xf32>,
        %parallel_loop3A_320 = tpu.vector_load_idx %arg20[%parallel_loop3A_254, %add3A_121] : memref<36x64xf32, #tpu.memory_space<vmem>>[vector<16xi32>, vector<16xi32>], vector<16xf32>,
        %parallel_loop3A_321 = arith.index_cast %parallel_loop3A_159 : i32 to index
        %parallel_loop3A_322 = arith.constant 80 : index
        %parallel_loop3A_323 = tpu.vector_load %arg23[%parallel_loop3A_321, %parallel_loop3A_322] {strides = array<i32>} : memref<128x256xf32, #tpu.memory_space<vmem>>, vector<16xf32>,
        tpu.vector_store %arg23[%parallel_loop3A_321, %parallel_loop3A_322], %parallel_loop3A_320 {strides = array<i32>} : memref<128x256xf32, #tpu.memory_space<vmem>>, vector<16xf32>,
        %parallel_loop3A_324 = tpu.vector_load_idx %arg20[%parallel_loop3A_264, %add3A_121] : memref<36x64xf32, #tpu.memory_space<vmem>>[vector<16xi32>, vector<16xi32>], vector<16xf32>,
        %parallel_loop3A_325 = arith.index_cast %parallel_loop3A_159 : i32 to index
        %parallel_loop3A_326 = arith.constant 144 : index
        %parallel_loop3A_327 = tpu.vector_load %arg23[%parallel_loop3A_325, %parallel_loop3A_326] {strides = array<i32>} : memref<128x256xf32, #tpu.memory_space<vmem>>, vector<16xf32>,
        tpu.vector_store %arg23[%parallel_loop3A_325, %parallel_loop3A_326], %parallel_loop3A_324 {strides = array<i32>} : memref<128x256xf32, #tpu.memory_space<vmem>>, vector<16xf32>,
        %parallel_loop3A_328 = arith.mulf %parallel_loop3A_274, %get3A_67 : vector<16xf32>
        %parallel_loop3A_329 = arith.addf %get3A_111, %parallel_loop3A_328 : vector<16xf32>
        %parallel_loop3A_330 = arith.mulf %parallel_loop3A_284, %get3A_83 : vector<16xf32>
        %parallel_loop3A_331 = arith.addf %parallel_loop3A_329, %parallel_loop3A_330 : vector<16xf32>
        %parallel_loop3A_332 = arith.mulf %parallel_loop3A_294, %get3A_99 : vector<16xf32>
        %parallel_loop3A_333 = arith.addf %parallel_loop3A_331, %parallel_loop3A_332 : vector<16xf32>
        %parallel_loop3A_334 = arith.index_cast %parallel_loop3A_159 : i32 to index
        %parallel_loop3A_335 = arith.constant 208 : index
        %parallel_loop3A_336 = tpu.vector_load %arg23[%parallel_loop3A_334, %parallel_loop3A_335] {strides = array<i32>} : memref<128x256xf32, #tpu.memory_space<vmem>>, vector<16xf32>,
        tpu.vector_store %arg23[%parallel_loop3A_334, %parallel_loop3A_335], %parallel_loop3A_333 {strides = array<i32>} : memref<128x256xf32, #tpu.memory_space<vmem>>, vector<16xf32>,
        %parallel_loop3A_337 = tpu.vector_load_idx %arg20[%parallel_loop3A_244, %add3A_124] : memref<36x64xf32, #tpu.memory_space<vmem>>[vector<16xi32>, vector<16xi32>], vector<16xf32>,
        %parallel_loop3A_338 = arith.index_cast %parallel_loop3A_159 : i32 to index
        %parallel_loop3A_339 = arith.constant 32 : index
        %parallel_loop3A_340 = tpu.vector_load %arg23[%parallel_loop3A_338, %parallel_loop3A_339] {strides = array<i32>} : memref<128x256xf32, #tpu.memory_space<vmem>>, vector<16xf32>,
        tpu.vector_store %arg23[%parallel_loop3A_338, %parallel_loop3A_339], %parallel_loop3A_337 {strides = array<i32>} : memref<128x256xf32, #tpu.memory_space<vmem>>, vector<16xf32>,
        %parallel_loop3A_341 = tpu.vector_load_idx %arg20[%parallel_loop3A_254, %add3A_124] : memref<36x64xf32, #tpu.memory_space<vmem>>[vector<16xi32>, vector<16xi32>], vector<16xf32>,
        %parallel_loop3A_342 = arith.index_cast %parallel_loop3A_159 : i32 to index
        %parallel_loop3A_343 = arith.constant 96 : index
        %parallel_loop3A_344 = tpu.vector_load %arg23[%parallel_loop3A_342, %parallel_loop3A_343] {strides = array<i32>} : memref<128x256xf32, #tpu.memory_space<vmem>>, vector<16xf32>,
        tpu.vector_store %arg23[%parallel_loop3A_342, %parallel_loop3A_343], %parallel_loop3A_341 {strides = array<i32>} : memref<128x256xf32, #tpu.memory_space<vmem>>, vector<16xf32>,
        %parallel_loop3A_345 = tpu.vector_load_idx %arg20[%parallel_loop3A_264, %add3A_124] : memref<36x64xf32, #tpu.memory_space<vmem>>[vector<16xi32>, vector<16xi32>], vector<16xf32>,
        %parallel_loop3A_346 = arith.index_cast %parallel_loop3A_159 : i32 to index
        %parallel_loop3A_347 = arith.constant 160 : index
        %parallel_loop3A_348 = tpu.vector_load %arg23[%parallel_loop3A_346, %parallel_loop3A_347] {strides = array<i32>} : memref<128x256xf32, #tpu.memory_space<vmem>>, vector<16xf32>,
        tpu.vector_store %arg23[%parallel_loop3A_346, %parallel_loop3A_347], %parallel_loop3A_345 {strides = array<i32>} : memref<128x256xf32, #tpu.memory_space<vmem>>, vector<16xf32>,
        %parallel_loop3A_349 = arith.mulf %parallel_loop3A_274, %get3A_71 : vector<16xf32>
        %parallel_loop3A_350 = arith.addf %get3A_113, %parallel_loop3A_349 : vector<16xf32>
        %parallel_loop3A_351 = arith.mulf %parallel_loop3A_284, %get3A_87 : vector<16xf32>
        %parallel_loop3A_352 = arith.addf %parallel_loop3A_350, %parallel_loop3A_351 : vector<16xf32>
        %parallel_loop3A_353 = arith.mulf %parallel_loop3A_294, %get3A_103 : vector<16xf32>
        %parallel_loop3A_354 = arith.addf %parallel_loop3A_352, %parallel_loop3A_353 : vector<16xf32>
        %parallel_loop3A_355 = arith.index_cast %parallel_loop3A_159 : i32 to index
        %parallel_loop3A_356 = arith.constant 224 : index
        %parallel_loop3A_357 = tpu.vector_load %arg23[%parallel_loop3A_355, %parallel_loop3A_356] {strides = array<i32>} : memref<128x256xf32, #tpu.memory_space<vmem>>, vector<16xf32>,
        tpu.vector_store %arg23[%parallel_loop3A_355, %parallel_loop3A_356], %parallel_loop3A_354 {strides = array<i32>} : memref<128x256xf32, #tpu.memory_space<vmem>>, vector<16xf32>,
        %parallel_loop3A_358 = tpu.vector_load_idx %arg20[%parallel_loop3A_244, %add3A_127] : memref<36x64xf32, #tpu.memory_space<vmem>>[vector<16xi32>, vector<16xi32>], vector<16xf32>,
        %parallel_loop3A_359 = arith.index_cast %parallel_loop3A_159 : i32 to index
        %parallel_loop3A_360 = arith.constant 48 : index
        %parallel_loop3A_361 = tpu.vector_load %arg23[%parallel_loop3A_359, %parallel_loop3A_360] {strides = array<i32>} : memref<128x256xf32, #tpu.memory_space<vmem>>, vector<16xf32>,
        tpu.vector_store %arg23[%parallel_loop3A_359, %parallel_loop3A_360], %parallel_loop3A_358 {strides = array<i32>} : memref<128x256xf32, #tpu.memory_space<vmem>>, vector<16xf32>,
        %parallel_loop3A_362 = tpu.vector_load_idx %arg20[%parallel_loop3A_254, %add3A_127] : memref<36x64xf32, #tpu.memory_space<vmem>>[vector<16xi32>, vector<16xi32>], vector<16xf32>,
        %parallel_loop3A_363 = arith.index_cast %parallel_loop3A_159 : i32 to index
        %parallel_loop3A_364 = arith.constant 112 : index
        %parallel_loop3A_365 = tpu.vector_load %arg23[%parallel_loop3A_363, %parallel_loop3A_364] {strides = array<i32>} : memref<128x256xf32, #tpu.memory_space<vmem>>, vector<16xf32>,
        tpu.vector_store %arg23[%parallel_loop3A_363, %parallel_loop3A_364], %parallel_loop3A_362 {strides = array<i32>} : memref<128x256xf32, #tpu.memory_space<vmem>>, vector<16xf32>,
        %parallel_loop3A_366 = tpu.vector_load_idx %arg20[%parallel_loop3A_264, %add3A_127] : memref<36x64xf32, #tpu.memory_space<vmem>>[vector<16xi32>, vector<16xi32>], vector<16xf32>,
        %parallel_loop3A_367 = arith.index_cast %parallel_loop3A_159 : i32 to index
        %parallel_loop3A_368 = arith.constant 176 : index
        %parallel_loop3A_369 = tpu.vector_load %arg23[%parallel_loop3A_367, %parallel_loop3A_368] {strides = array<i32>} : memref<128x256xf32, #tpu.memory_space<vmem>>, vector<16xf32>,
        tpu.vector_store %arg23[%parallel_loop3A_367, %parallel_loop3A_368], %parallel_loop3A_366 {strides = array<i32>} : memref<128x256xf32, #tpu.memory_space<vmem>>, vector<16xf32>,
        %parallel_loop3A_370 = arith.mulf %parallel_loop3A_274, %get3A_75 : vector<16xf32>
        %parallel_loop3A_371 = arith.addf %get3A_115, %parallel_loop3A_370 : vector<16xf32>
        %parallel_loop3A_372 = arith.mulf %parallel_loop3A_284, %get3A_91 : vector<16xf32>
        %parallel_loop3A_373 = arith.addf %parallel_loop3A_371, %parallel_loop3A_372 : vector<16xf32>
        %parallel_loop3A_374 = arith.mulf %parallel_loop3A_294, %get3A_107 : vector<16xf32>
        %parallel_loop3A_375 = arith.addf %parallel_loop3A_373, %parallel_loop3A_374 : vector<16xf32>
        %parallel_loop3A_376 = arith.index_cast %parallel_loop3A_159 : i32 to index
        %parallel_loop3A_377 = arith.constant 240 : index
        %parallel_loop3A_378 = tpu.vector_load %arg23[%parallel_loop3A_376, %parallel_loop3A_377] {strides = array<i32>} : memref<128x256xf32, #tpu.memory_space<vmem>>, vector<16xf32>,
        tpu.vector_store %arg23[%parallel_loop3A_376, %parallel_loop3A_377], %parallel_loop3A_375 {strides = array<i32>} : memref<128x256xf32, #tpu.memory_space<vmem>>, vector<16xf32>,
      } {sc.loop_unroll_factor = 8 : i64, sc.parallel_access}
      %mul3A_147 = arith.constant 32 : i32
      %mul3A_148 = arith.muli %scan3A_139, %mul3A_147 : i32
      %add3A_149 = arith.addi %mul3A_2, %mul3A_148 : i32
      %dma_start3A_150 = arith.constant 0 : i32
      %dma_start3A_151 = tpu.memref_slice %arg23[%mul3A_142, %dma_start3A_150] : memref<128x256xf32, #tpu.memory_space<vmem>> -> memref<32x256xf32, #tpu.memory_space<vmem>>
      %dma_start3A_152 = arith.constant 0 : i32
      %dma_start3A_153 = tpu.memref_slice %arg13[%add3A_149, %dma_start3A_152] : memref<16384x256xf32, #tpu.memory_space<hbm>> -> memref<32x256xf32, #tpu.memory_space<hbm>>
      %dma_start3A_154 = arith.constant 0 : i32
      %dma_start3A_155 = tpu.memref_slice %arg13[%add3A_149, %dma_start3A_154] : memref<16384x256xf32, #tpu.memory_space<hbm>> -> memref<32x256xf32, #tpu.memory_space<hbm>>
      %dma_start3A_156 = arith.constant 0 : i32
      %dma_start3A_157 = tpu.memref_slice %arg23[%mul3A_142, %dma_start3A_156] : memref<128x256xf32, #tpu.memory_space<vmem>> -> memref<32x256xf32, #tpu.memory_space<vmem>>
      tpu.enqueue_dma source(%dma_start3A_157 : memref<32x256xf32, #tpu.memory_space<vmem>>) target(%dma_start3A_155 : memref<32x256xf32, #tpu.memory_space<hbm>>) target_semaphore(%arg25 : memref<!tpu.dma_semaphore, #tpu.memory_space<semaphore_mem>>)
    }
    %scan3A_132 = arith.constant 16 : i32
    %dma_wait3A_133 = arith.constant 0 : i32
    %dma_wait3A_134 = arith.constant 0 : i32
    %dma_wait3A_135 = tpu.memref_slice %arg13[%dma_wait3A_133, %dma_wait3A_134] : memref<16384x256xf32, #tpu.memory_space<hbm>> -> memref<128x256xf32, #tpu.memory_space<hbm>>
    %dma_wait3A_136 = arith.constant 0 : i32
    %dma_wait3A_137 = arith.constant 0 : i32
    %dma_wait3A_138 = tpu.memref_slice %arg13[%dma_wait3A_136, %dma_wait3A_137] : memref<16384x256xf32, #tpu.memory_space<hbm>> -> memref<128x256xf32, #tpu.memory_space<hbm>>
    tpu.wait_dma2 semaphore(%arg25 : memref<!tpu.dma_semaphore, #tpu.memory_space<semaphore_mem>>) src(%dma_wait3A_138 : memref<128x256xf32, #tpu.memory_space<hbm>>) dst(%arg23 : memref<128x256xf32, #tpu.memory_space<vmem>>)
    return
  }
}

</mosaic_0001>

<sc_bundles>
// kernel: kernel.3.cloned.1.call-start
scs
__scs_entry_jumppad:
0x0: {  	(pc) =	sbr.rel $0x88, $3  }
0x1: {  	(tag) =	ssettag $0x0;
	lr =	simm.s32 $0x1  }
0x2: {  	[smem:$0x3F98] =	sst lr;
	_ =	strace $0xD0000000  }
0x3: {  	_ = 	snop  }
0x4: {  	_ = 	snop  }
0x5: {  	_ = 	snop  }
0x6: {  	_ = 	snop  }
0x7: {  	_ = 	snop  }
__scs_overlays_trampoline_lowered:
0x8: {  	[smem:$0x3FA7] =	sst s0  }
0x9: {  	[smem:$0x3FA8] =	sst s1  }
0xa: {  	[smem:$0x3FA9] =	sst s2  }
0xb: {  	[smem:$0x3FAA] =	sst s3  }
0xc: {  	[smem:$0x3FAB] =	sst s4  }
0xd: {  	[smem:$0x3FAC] =	sst s5  }
0xe: {  	[smem:$0x3FAD] =	sst s6  }
0xf: {  	[smem:$0x3FAE] =	sst s7  }
0x10: {  	[smem:$0x3FAF] =	sst s8  }
0x11: {  	[smem:$0x3FB0] =	sst s9;
	s0 =	simm.s32 @!p0 $0x0  }
0x12: {  	s1 =	sld [smem:$0x3F96];
	s0 =	simm.s32 @p0 $0x1  }
0x13: {  	[smem:$0x3FB1] =	sst s0;
	s0 =	simm.s32 @!p1 $0x0  }
0x14: {  	s2 =	sld [smem:$0x3F95];
	s0 =	simm.s32 @p1 $0x1  }
0x15: {  	[smem:$0x3FB2] =	sst s0;
	s0 =	simm.s32 @!p2 $0x0  }
0x16: {  	s3 =	sld [smem:$0x3FDB];
	s0 =	simm.s32 @p2 $0x1  }
0x17: {  	s4 =	simm.s32 $0x1BF5;
	[smem:$0x3FB4] =	sst s0  }
0x18: {  	s0 =	sld [smem:$0x3F97];
	_ =	swait.ge [sflag:s4], $0x0  }
0x19: {  	s7 =	sld [smem:$0x3F98]  }
0x1a: {  	s8 =	sadd.s32 $0xFFFFE003, lr  }
0x1b: {  	s9 =	sadd.s32 $0xFFFFFEF7, lr;
	s5 =	simm.s32 $0xFFFFFFFF;
	p2 =	slt.u32 s8, $0xFFFFF086  }
0x1c: {  	p1 =	slt.u32 s9, $0xF7A;
	s5 =	simm.s32 @!p2 $0x0  }
0x1d: {  	s5 =	simm.s32 @p1 $0x1;
	p0 =	seq.s32 s7, s2  }
0x1e: {  	s7 =	smul.u32 @!p0 $0xF7A, s2;
	p2 =	seq.s32 @!p0 s5, $0x0  }
0x1f: {  	s9 =	smul.u32 $0xF7A, s1;
	s8 =	simm.s32 @!p0 $0x1BF5;
	p2 =	por !p2, p0  }
0x20: {  	[sflag:s8] =	ssyncset.s32 @!p0 $0xFFFFF086;
	s6 =	sadd.s32 @!p0 s3, s7;
	s7 =	simm.s32 @!p0 $0x108  }
0x21: {  	s3 =	sadd.s32 s3, s9;
	s6 =	sadd.s32 @!p0 $0x88, s6;
	s7 =	simm.s32 @p2 $0x1082  }
0x22: {  	[simem:s7], [sflag:s8] =	dma.local @!p0 [hbm:s6], $0xF7A  }
0x23: {  	s9 =	sor.u32 $0xD0000000, s2;
	s6 =	simm.s32 $0x108;
	_ =	swait.ge @!p0 [sflag:s8], $0x0  }
0x24: {  	s3 =	sadd.s32 $0x88, s3;
	s6 =	simm.s32 @!p1 $0x1082;
	[sflag:s4] =	ssyncset.s32 $0xFFFFF086  }
0x25: {  	[simem:s6], [sflag:s4] =	dma.local [hbm:s3], $0xF7A  }
0x26: {  	[smem:$0x3F98] =	sst s1;
	(tag) =	ssettag s2;
	_ =	strace s9  }
0x27: {  	s1 =	sld [smem:$0x3FA8]  }
0x28: {  	s2 =	sld [smem:$0x3FA9]  }
0x29: {  	s4 =	sld [smem:$0x3FAB]  }
0x2a: {  	p0 =	seq.s32 s5, $0x0;
	s5 =	sld [smem:$0x3FAC]  }
0x2b: {  	s6 =	sld [smem:$0x3FAD]  }
0x2c: {  	s7 =	sld [smem:$0x3FAE]  }
0x2d: {  	s3 =	simm.s32 $0x108;
	s8 =	sld [smem:$0x3FAF]  }
0x2e: {  	s3 =	simm.s32 @!p0 $0x1082;
	s9 =	sld [smem:$0x3FB0]  }
0x2f: {  	lr =	sadd.s32 s0, s3;
	s0 =	sld [smem:$0x3FA7]  }
0x30: {  	s3 =	sld [smem:$0x3FAA]  }
0x31: {  	[smem:$0x3FB3] =	sst s10  }
0x32: {  	s10 =	sld [smem:$0x3FB1];
	_ =	sdelay $0x3  }
0x33: {  	p0 =	seq.s32 s10, $0x1;
	s10 =	sld [smem:$0x3FB3];
	_ =	sdelay $0x3  }
0x34: {  	[smem:$0x3FB3] =	sst s10  }
0x35: {  	s10 =	sld [smem:$0x3FB2];
	_ =	sdelay $0x3  }
0x36: {  	p1 =	seq.s32 s10, $0x1;
	s10 =	sld [smem:$0x3FB3];
	_ =	sdelay $0x3  }
0x37: {  	[smem:$0x3FB3] =	sst s10  }
0x38: {  	s10 =	sld [smem:$0x3FB4]  }
0x39: {  	_ = 	snop;
	(pc) =	sbr.ind lr, $3  }
0x3a: {  	_ = 	snop  }
0x3b: {  	_ = 	snop  }
0x3c: {  	p2 =	seq.s32 s10, $0x1;
	s10 =	sld [smem:$0x3FB3]  }
0x3d: {  	_ =	shalt  }
0x3e: {  	_ =	shalt  }
0x3f: {  	_ =	shalt  }
0x40: {  	_ =	shalt  }
0x41: {  	_ =	shalt  }
0x42: {  	_ =	shalt  }
0x43: {  	_ =	shalt  }
0x44: {  	_ =	shalt  }
0x45: {  	_ =	shalt  }
0x46: {  	_ =	shalt  }
0x47: {  	_ =	shalt  }
0x48: {  	_ =	shalt  }
0x49: {  	_ =	shalt  }
0x4a: {  	_ =	shalt  }
0x4b: {  	_ =	shalt  }
0x4c: {  	_ =	shalt  }
0x4d: {  	_ =	shalt  }
0x4e: {  	_ =	shalt  }
0x4f: {  	_ =	shalt  }
0x50: {  	_ =	shalt  }
0x51: {  	_ =	shalt  }
0x52: {  	_ =	shalt  }
0x53: {  	_ =	shalt  }
0x54: {  	_ =	shalt  }
0x55: {  	_ =	shalt  }
0x56: {  	_ =	shalt  }
0x57: {  	_ =	shalt  }
0x58: {  	_ =	shalt  }
0x59: {  	_ =	shalt  }
0x5a: {  	_ =	shalt  }
0x5b: {  	_ =	shalt  }
0x5c: {  	_ =	shalt  }
0x5d: {  	_ =	shalt  }
0x5e: {  	_ =	shalt  }
0x5f: {  	_ =	shalt  }
0x60: {  	_ =	shalt  }
0x61: {  	_ =	shalt  }
0x62: {  	_ =	shalt  }
0x63: {  	_ =	shalt  }
0x64: {  	_ =	shalt  }
0x65: {  	_ =	shalt  }
0x66: {  	_ =	shalt  }
0x67: {  	_ =	shalt  }
0x68: {  	_ =	shalt  }
0x69: {  	_ =	shalt  }
0x6a: {  	_ =	shalt  }
0x6b: {  	_ =	shalt  }
0x6c: {  	_ =	shalt  }
0x6d: {  	_ =	shalt  }
0x6e: {  	_ =	shalt  }
0x6f: {  	_ =	shalt  }
0x70: {  	_ =	shalt  }
0x71: {  	_ =	shalt  }
0x72: {  	_ =	shalt  }
0x73: {  	_ =	shalt  }
0x74: {  	_ =	shalt  }
0x75: {  	_ =	shalt  }
0x76: {  	_ =	shalt  }
0x77: {  	_ =	shalt  }
0x78: {  	_ =	shalt  }
0x79: {  	_ =	shalt  }
0x7a: {  	_ =	shalt  }
0x7b: {  	_ =	shalt  }
0x7c: {  	_ =	shalt  }
0x7d: {  	_ =	shalt  }
0x7e: {  	_ =	shalt  }
0x7f: {  	_ =	shalt  }
0x80: {  	_ =	shalt  }
0x81: {  	_ =	shalt  }
0x82: {  	_ =	shalt  }
0x83: {  	_ =	shalt  }
0x84: {  	_ =	shalt  }
0x85: {  	_ =	shalt  }
0x86: {  	_ =	shalt  }
0x87: {  	_ =	shalt  }
.Lfunc_end0:
.L_simem_size_0:
called_computation_lowered:
.L_overlay_start_0:
0x88: {  	s2 =	sld [smem:$0x3FD9]  }
0x89: {  	s3 =	sld [smem:$0x3FFE];
	_ =	sdelay $0x1  }
0x8a: {  	s1 =	srdreg.scid  }
0x8b: {  	s0 =	sand.u32 $0x1, s1  }
0x8c: {  	s17 =	sshll.u32 s0, $0xA;
	s2 =	sadd.s32 s3, s2  }
0x8d: {  	s2 =	sadd.s32 s2, s17  }
0x8e: {  	[smem:$0x3FBF] =	sst s2  }
0x8f: {  	_ = 	snop  }
0x90: {  	s2 =	sld [smem:$0x3FC9]  }
0x91: {  	s18 =	sld [smem:$0x3FC8]  }
0x92: {  	s4 =	sld [smem:$0x3FC7]  }
0x93: {  	s5 =	sld [smem:$0x3FC5]  }
0x94: {  	s6 =	sld [smem:$0x3FC4]  }
0x95: {  	s7 =	sld [smem:$0x3FC3]  }
0x96: {  	s8 =	sld [smem:$0x3FC2]  }
0x97: {  	s9 =	sld [smem:$0x3FC1]  }
0x98: {  	s10 =	sld [smem:$0x3FD0];
	(tm) =	ssettm $0x1  }
0x99: {  	s11 =	sld [smem:$0x3FFB];
	_ =	sdelay $0x3  }
0x9a: {  	_ =	strace s11  }
0x9b: {  	s11 =	sld [smem:$0x3FFC];
	_ =	sdelay $0x3  }
0x9c: {  	_ =	strace s11  }
0x9d: {  	s11 =	sld [smem:$0x3FFD];
	_ =	sdelay $0x3  }
0x9e: {  	_ =	strace s11  }
0x9f: {  	_ =	strace $0x8FFFFFFF  }
0xa0: {  	s19 =	sld [smem:$0x3FDB];
	_ =	sdelay $0x1  }
0xa1: {  	s12 =	simm.s32 $_scs_section_size  }
0xa2: {  	s13 =	simm.s32 $_size__tile_overlayer_lowered;
	s14 =	simm.s32 $_tile_overlayer_lowered  }
0xa3: {  	s22 =	simm.s32 $0x1BFF;
	s21 =	sshll.u32 s14, $0x1;
	s11 =	sadd.s32 s12, s19  }
0xa4: {  	s15 =	simm.s32 $0x0;
	s20 =	sshll.u32 s13, $0x1;
	s13 =	sadd.s32 s21, s11  }
0xa5: {  	[timem:s15], [sflag:s22] =	dma.local [hbm:s13], s20  }
0xa6: {  	_ =	swait.ge [sflag:s22], s20  }
0xa7: {  	s12 =	ssub.s32 $0x0, s20;
	[sflag:s22] =	ssyncset.done $0x0  }
0xa8: {  	[sflag:s22] =	ssyncadd.s32 s12;
	_ =	sdelay $0x1  }
0xa9: {  	s23 =	simm.s32 $0x1B8B  }
0xaa: {  	_ =	swait.ge [sflag:s23], $0x1  }
0xab: {  	[sflag:s23] =	ssyncset.done $0x0  }
0xac: {  	s25 =	simm.s32 $0x1B8E;
	s24 =	sld [smem:$0x3FFE];
	[sflag:s23] =	ssyncadd.s32 $0xFFFFFFFF  }
0xad: {  	s26 =	simm.s32 $execute0_lowered;
	[smem:$0x3FD2] =	sst s25  }
0xae: {  	s13 =	sshll.u32 s26, $0x1;
	_ =	strace $0x80000046;
	[dreg:$0x1] =	wrdreg $0xFFFFFFFF  }
0xaf: {  	s28 =	simm.s32 $_size_execute0_lowered;
	s11 =	sadd.s32 s11, s13;
	[dreg:$0x0] =	wrdreg $0x0  }
0xb0: {  	s13 =	sshll.u32 s28, $0x1;
	[dreg:$0x2] =	wrdreg s11  }
0xb1: {  	[dreg:$0x3] =	wrdreg s13  }
0xb2: {  	[dreg:$0x4] =	wrdreg $0xC0  }
0xb3: {  	_ =	task [dreg:s15], $0x5FFFF  }
0xb4: {  	[dreg:$0x1] =	wrdreg $0xFFFFFFFF  }
0xb5: {  	[dreg:$0x0] =	wrdreg $0x60  }
0xb6: {  	[dreg:$0x2] =	wrdreg s2  }
0xb7: {  	[dreg:$0x3] =	wrdreg s18  }
0xb8: {  	[dreg:$0x4] =	wrdreg s4  }
0xb9: {  	[dreg:$0x5] =	wrdreg s24  }
0xba: {  	[dreg:$0x6] =	wrdreg s5  }
0xbb: {  	[dreg:$0x7] =	wrdreg s6  }
0xbc: {  	[dreg:$0x8] =	wrdreg s7  }
0xbd: {  	[dreg:$0x9] =	wrdreg s8  }
0xbe: {  	[dreg:$0xa] =	wrdreg s9  }
0xbf: {  	[dreg:$0xb] =	wrdreg s10  }
0xc0: {  	[dreg:$0xc] =	wrdreg $0x9  }
0xc1: {  	_ =	task.clear_ibuf [dreg:s15], $0xDFFFF;
	_ =	strace $0x90000046  }
0xc2: {  	s29 =	simm.s32 $0x9;
	_ =	strace $0x80000048  }
0xc3: {  	_ =	swait.ge [sflag:s29], $0x1  }
0xc4: {  	[sflag:s29] =	ssyncadd.s32 $0xFFFFFFFF  }
0xc5: {  	_ =	strace $0x90000048  }
0xc6: {  	_ =	sfence  }
0xc7: {  	s30 =	sld [smem:$0x0];
	_ =	sdelay $0x2  }
0xc8: {  	s31 =	sshll.u32 s1, $0xD;
	s1 =	sshrl.u32 s1, $0x2  }
0xc9: {  	s3 =	sand.u32 $0x4000, s31;
	s1 =	sadd.s32 s1, s30  }
0xca: {  	s0 =	sor.u32 s3, s0;
	s1 =	sshll.u32 s1, $0x11  }
0xcb: {  	s0 =	sor.u32 s1, s0  }
0xcc: {  	s0 =	sadd.s32 $0x8F2B, s0  }
0xcd: {  	[sflag:s0] =	ssyncadd.remote.s32 $0x1  }
0xce: {  	_ =	sfence.sel $0xFFFF  }
0xcf: {  	[dreg:$0x0] =	wrdreg $0xFFFFFFFF;
	(pc) =	sbr.abs _section_cstart, $3  }
0xd0: {  	[dreg:$0x1] =	wrdreg $0xFFFFFFFF  }
0xd1: {  	_ =	task.clear_ibuf [dreg:s15], $0x2FFFF;
	_ =	strace $0x9FFFFFFF  }
0xd2: {  	(tm) =	ssettm $0x7FFFFFFF  }
0xd3: {  	_ =	shalt  }
tec
execute0_lowered:
.L_overlay_start_1:
0x0: {  	(tag) =	ssettag $0x1  }
0x1: {  	s0 =	rddreg [dreg:$0x0]  }
0x2: {  	s1 =	rddreg [dreg:$0x1]  }
0x3: {  	s2 =	rddreg [dreg:$0x2]  }
0x4: {  	s3 =	rddreg [dreg:$0x3]  }
0x5: {  	s4 =	rddreg [dreg:$0x9]  }
0x6: {  	s5 =	srdreg.scid;
	s6 =	stileid.u32  }
0x7: {  	s7 =	simm.s32 $0x0;
	s20 =	simm.s32 $0xA00;
	s21 =	simm.s32 $0xC00  }
0x8: {  	s22 =	simm.s32 $0x1500;
	s23 =	simm.s32 $0x1680;
	s24 =	simm.s32 $0x2000  }
0x9: {  	s25 =	simm.s32 $0x2200;
	s26 =	simm.s32 $0x1;
	s28 =	simm.s32 $0x2  }
0xa: {  	s29 =	simm.s32 $0x0;
	s5 =	sand.u32 $0x1, s5;
	s6 =	sshll.u32 s6, $0xA  }
0xb: {  	[smem:$0x7FF] =	sst s7;
	s8 =	sshll.u32 s5, $0x9;
	s5 =	ssub.s32 $0x2, s5  }
0xc: {  	_ =	strace $0x80000047;
	s6 =	sor.u32 s8, s6;
	s30 =	sshrl.u32 s5, $0x1  }
0xd: {  	s10 =	sshrl.u32 s6, $0x3;
	s5 =	ssub.s32 s5, s30;
	s31 =	sshll.u32 s6, $0x5  }
0xe: {  	s3 =	sadd.s32 s10, s3;
	s8 =	sadd.s32 s0, s10;
	s9 =	sadd.s32 s1, s10  }
0xf: {  	v0 =	vlaneseq.u32;
	s10 =	sadd.s32 s2, s10;
	s14 =	sadd.s32 s4, s31;
	s15 =	smax.u32 s5, $0x1  }
0x10: {  	v1 =	vor.u32 $0x10, v0;
	v2 =	vor.u32 $0x20, v0;
	v3 =	vor.u32 $0x30, v0;
	s11 =	sadd.s32 $0x1600, s3;
	s12 =	sadd.s32 $0xE00, s3;
	s13 =	sadd.s32 $0x600, s3  }
.LBB2_1:
0x11: {  	[tilespmem:s7], [sflag:$0x1] =	stream.linear.gather [hbm4b:s8+s7], $0x200, $0x38;
	[tilespmem:$0xA280] =	vst v63  }
0x12: {  	s0 =	simm.s32 $0x200  }
0x13: {  	[tilespmem:s0], [sflag:$0x1] =	stream.linear.gather [hbm4b:s9+s7], $0x200, $0x38;
	[tilespmem:$0xA280] =	vst v63  }
0x14: {  	s3 =	simm.s32 $0x400  }
0x15: {  	[tilespmem:s3], [sflag:$0x1] =	stream.linear.gather [hbm4b:s10+s7], $0x200, $0x38;
	[tilespmem:$0xA280] =	vst v63  }
0x16: {  	s4 =	simm.s32 $0x600  }
0x17: {  	[tilespmem:s4], [sflag:$0x1] =	stream.linear.gather [hbm4b:s11+s7], $0x200, $0x38;
	[tilespmem:$0xA280] =	vst v63  }
0x18: {  	s5 =	simm.s32 $0x800  }
0x19: {  	[tilespmem:s5], [sflag:$0x1] =	stream.linear.gather [hbm4b:s12+s7], $0x200, $0x38;
	[tilespmem:$0xA280] =	vst v63  }
0x1a: {  	_ = 	snop  }
0x1b: {  	[tilespmem:s20], [sflag:$0x1] =	stream.linear.gather [hbm4b:s13+s7], $0x200, $0x38;
	[tilespmem:$0xA280] =	vst v63  }
0x1c: {  	s6 =	rddreg [dreg:$0x4]  }
0x1d: {  	[tilespmem:s21], [sflag:$0x1] =	stream.linear.gather [hbm4b:s6+s7], $0x900, $0x38;
	[tilespmem:$0xA280] =	vst v63  }
0x1e: {  	s16 =	rddreg [dreg:$0x5]  }
0x1f: {  	[tilespmem:s22], [sflag:$0x1] =	stream.linear.gather [hbm4b:s16+s7], $0x180, $0x38;
	[tilespmem:$0xA280] =	vst v63  }
0x20: {  	s17 =	rddreg [dreg:$0x6]  }
0x21: {  	[tilespmem:s23], [sflag:$0x1] =	stream.linear.gather [hbm4b:s17+s7], $0x780, $0x38;
	[tilespmem:$0xA280] =	vst v63  }
0x22: {  	s18 =	rddreg [dreg:$0x7]  }
0x23: {  	[tilespmem:s24], [sflag:$0x1] =	stream.linear.gather [hbm4b:s18+s7], $0x180, $0x38;
	[tilespmem:$0xA280] =	vst v63  }
0x24: {  	s19 =	rddreg [dreg:$0x8]  }
0x25: {  	[tilespmem:s25], [sflag:$0x1] =	stream.linear.gather [hbm4b:s19+s7], $0x80, $0x38;
	[tilespmem:$0xA280] =	vst v63  }
0x26: {  	_ =	swait.ge [sflag:s26], $0x200  }
0x27: {  	[sflag:s26] =	ssyncset.done $0x0  }
0x28: {  	[sflag:s26] =	ssyncadd.s32 $0xFFFFFE00  }
0x29: {  	_ =	swait.ge [sflag:s26], $0x200  }
0x2a: {  	[sflag:s26] =	ssyncset.done $0x0  }
0x2b: {  	[sflag:s26] =	ssyncadd.s32 $0xFFFFFE00  }
0x2c: {  	_ =	swait.ge [sflag:s26], $0x200  }
0x2d: {  	[sflag:s26] =	ssyncset.done $0x0  }
0x2e: {  	[sflag:s26] =	ssyncadd.s32 $0xFFFFFE00  }
0x2f: {  	_ =	swait.ge [sflag:s26], $0x200  }
0x30: {  	[sflag:s26] =	ssyncset.done $0x0  }
0x31: {  	[sflag:s26] =	ssyncadd.s32 $0xFFFFFE00  }
0x32: {  	_ =	swait.ge [sflag:s26], $0x200  }
0x33: {  	[sflag:s26] =	ssyncset.done $0x0  }
0x34: {  	[sflag:s26] =	ssyncadd.s32 $0xFFFFFE00  }
0x35: {  	_ =	swait.ge [sflag:s26], $0x200  }
0x36: {  	[sflag:s26] =	ssyncset.done $0x0  }
0x37: {  	[sflag:s26] =	ssyncadd.s32 $0xFFFFFE00  }
0x38: {  	_ =	swait.ge [sflag:s26], $0x900  }
0x39: {  	[sflag:s26] =	ssyncset.done $0x0  }
0x3a: {  	[sflag:s26] =	ssyncadd.s32 $0xFFFFF700  }
0x3b: {  	_ =	swait.ge [sflag:s26], $0x180  }
0x3c: {  	[sflag:s26] =	ssyncset.done $0x0  }
0x3d: {  	[sflag:s26] =	ssyncadd.s32 $0xFFFFFE80  }
0x3e: {  	_ =	swait.ge [sflag:s26], $0x780  }
0x3f: {  	[sflag:s26] =	ssyncset.done $0x0  }
0x40: {  	[sflag:s26] =	ssyncadd.s32 $0xFFFFF880  }
0x41: {  	_ =	swait.ge [sflag:s26], $0x180  }
0x42: {  	[sflag:s26] =	ssyncset.done $0x0  }
0x43: {  	[sflag:s26] =	ssyncadd.s32 $0xFFFFFE80  }
0x44: {  	_ =	swait.ge [sflag:s26], $0x80  }
0x45: {  	[sflag:s26] =	ssyncset.done $0x0  }
0x46: {  	[sflag:s26] =	ssyncadd.s32 $0xFFFFFF80  }
0x47: {  	v62 =	vld [tilespmem:$0x2000]  }
0x48: {  	v7 =	vld [tilespmem:$0x2010]  }
0x49: {  	v8 =	vld [tilespmem:$0x2020]  }
0x4a: {  	v9 =	vld [tilespmem:$0x2030]  }
0x4b: {  	v10 =	vld [tilespmem:$0x2080]  }
0x4c: {  	v11 =	vld [tilespmem:$0x2090]  }
0x4d: {  	v12 =	vld [tilespmem:$0x20A0]  }
0x4e: {  	v13 =	vld [tilespmem:$0x20B0]  }
0x4f: {  	v14 =	vld [tilespmem:$0x2100]  }
0x50: {  	v15 =	vld [tilespmem:$0x2110]  }
0x51: {  	v55 =	vld [tilespmem:$0x2220]  }
0x52: {  	v16 =	vld [tilespmem:$0x2120]  }
0x53: {  	v17 =	vld [tilespmem:$0x2130]  }
0x54: {  	v18 =	vld [tilespmem:$0x2200]  }
0x55: {  	v19 =	vld [tilespmem:$0x2210]  }
0x56: {  	s30 =	simm.s32 $0x0;
	s31 =	simm.s32 $0x0;
	v60 =	vld [tilespmem:$0x2230];
	[tilespmem:$0x1FFF0] =	vst v55  }
.LBB2_2:
0x57: {  	s0 =	sshll.u32 s30, $0xD;
	p0 =	slt.u32 s31, $0x4  }
0x58: {  	s6 =	sshll.u32 s31, $0x5;
	s2 =	sand.u32 $0x6000, s0;
	s4 =	simm.s32 @!p0 $0x2  }
0x59: {  	s1 =	sor.u32 $0x700, s2;
	s5 =	sadd.s32 $0x2680, s2;
	s0 =	sadd.s32 $0x24F0, s2  }
0x5a: {  	_ =	swait.ge @!p0 [sflag:s4], $0x2000;
	s2 =	sadd.s32 $0x25F0, s2;
	[dreg:$0xb] =	wrdreg s6  }
0x5b: {  	s6 =	simm.s32 $0xFFFFFFF8;
	s3 =	sand.u32 $0x6000, s1;
	[sflag:s4] =	ssyncset.done @!p0 $0x0  }
0x5c: {  	s3 =	sadd.s32 $0x2670, s3;
	[sflag:s4] =	ssyncadd.s32 @!p0 $0xFFFFE000;
	s4 =	sand.u32 $0x3, s31  }
.LBB2_3:
0x5d: {  	s17 =	sadd.s32 $0x8, s6  }
0x5e: {  	s16 =	rddreg [dreg:$0xb];
	s18 =	sand.u32 $0x10, s17  }
0x5f: {  	s16 =	sor.u32 s16, s18  }
0x60: {  	v40 =	vld [tilespmem:s16+$0x0];
	_ =	sdelay $0x2  }
0x61: {  	s18 =	sand.u32 $0x8, s17  }
0x62: {  	v20 =	vmov s18  }
0x63: {  	v21 =	vld [tilespmem:s16+$0x200];
	v22 =	vperm.xlane v40, v20;
	_ =	sdelay $0x1  }
0x64: {  	v23 =	vshll.u32 v22, $0x7  }
0x65: {  	v22 =	vor.u32 v0, v23;
	_ =	sdelay $0x1  }
0x66: {  	v37 =	vadd.s32 $0x12, v21  }
0x67: {  	v42 =	vld [tilespmem:s16+$0x400];
	v24 =	vperm.xlane v37, v20;
	_ =	sdelay $0x1  }
0x68: {  	v25 =	vld.idx.msk [tilespmem:v22+s21+$0x0], $0xffff;
	v22 =	vshll.u32 v24, $0x7  }
0x69: {  	v24 =	vor.u32 v0, v22;
	_ =	sdelay $0x1  }
0x6a: {  	v30 =	vld [tilespmem:s16+$0x600];
	v32 =	vadd.s32 $0x15, v42  }
0x6b: {  	v29 =	vld [tilespmem:s16+$0x800];
	v21 =	vperm.xlane v32, v20  }
0x6c: {  	v28 =	vld [tilespmem:s16+$0xA00];
	[tilespmem:s5+$0xFFFFFC00] =	vst v25  }
0x6d: {  	v35 =	vshll.u32 v21, $0x7;
	v24 =	vld.idx.msk [tilespmem:v24+s21+$0x0], $0xffff  }
0x6e: {  	v21 =	vor.u32 v0, v35  }
0x6f: {  	v33 =	vperm.xlane v30, v20;
	_ =	sdelay $0x1  }
0x70: {  	v34 =	vperm.xlane v29, v20;
	v43 =	vmul.f32 v33, v62  }
0x71: {  	[tilespmem:s5+$0xFFFFFC40] =	vst v24  }
0x72: {  	v36 =	vperm.xlane v28, v20;
	v45 =	vmul.f32 v34, v10;
	v44 =	vadd.f32 v43, v18;
	v20 =	vld.idx.msk [tilespmem:v21+s21+$0x0], $0xffff;
	_ =	sdelay $0x1  }
0x73: {  	v46 =	vmul.f32 v36, v14;
	v47 =	vor.u32 v1, v23;
	v21 =	vadd.f32 v45, v44;
	_ =	sdelay $0x1  }
0x74: {  	s19 =	sor.u32 $0x1, s18;
	v21 =	vadd.f32 v46, v21  }
0x75: {  	[tilespmem:s5+$0x0] =	vst v20;
	v20 =	vmov s19  }
0x76: {  	[tilespmem:s5+$0x40] =	vst v21;
	v48 =	vperm.xlane v40, v20  }
0x77: {  	v21 =	vld.idx.msk [tilespmem:v47+s21+$0x0], $0xffff  }
0x78: {  	v49 =	vor.u32 v1, v22;
	v38 =	vshll.u32 v48, $0x7  }
0x79: {  	v24 =	vor.u32 v0, v38;
	_ =	sdelay $0x1  }
0x7a: {  	s19 =	sor.u32 $0x2, s18  }
0x7b: {  	v50 =	vperm.xlane v37, v20;
	v27 =	vmov s19;
	[tilespmem:s5+$0xFFFFFC10] =	vst v21  }
0x7c: {  	v51 =	vperm.xlane v40, v27;
	v21 =	vld.idx.msk [tilespmem:v49+s21+$0x0], $0xffff  }
0x7d: {  	v26 =	vor.u32 v1, v35;
	v48 =	vshll.u32 v50, $0x7;
	v24 =	vld.idx.msk [tilespmem:v24+s21+$0x0], $0xffff  }
0x7e: {  	v31 =	vmul.f32 v33, v7;
	v39 =	vor.u32 v0, v48;
	v41 =	vshll.u32 v51, $0x7  }
0x7f: {  	v54 =	vor.u32 v0, v41  }
0x80: {  	v53 =	vmul.f32 v34, v11;
	v52 =	vadd.f32 v31, v19;
	v42 =	vperm.xlane v32, v20  }
0x81: {  	v56 =	vmul.f32 v36, v15;
	v43 =	vperm.xlane v37, v27;
	[tilespmem:s5+$0xFFFFFC50] =	vst v21  }
0x82: {  	v44 =	vshll.u32 v42, $0x7;
	v42 =	vperm.xlane v30, v20;
	v21 =	vadd.f32 v53, v52;
	v26 =	vld.idx.msk [tilespmem:v26+s21+$0x0], $0xffff;
	[tilespmem:s5+$0xFFFFFC80] =	vst v24  }
0x83: {  	v57 =	vor.u32 v2, v23;
	v45 =	vperm.xlane v29, v20;
	v46 =	vor.u32 v0, v44;
	v39 =	vld.idx.msk [tilespmem:v39+s21+$0x0], $0xffff  }
0x84: {  	v47 =	vshll.u32 v43, $0x7;
	v59 =	vmul.f32 v42, v62;
	v58 =	vld.idx.msk [tilespmem:v54+s21+$0x0], $0xffff;
	v21 =	vadd.f32 v56, v21  }
0x85: {  	v43 =	vperm.xlane v28, v20;
	v61 =	vor.u32 v0, v47  }
0x86: {  	v63 =	vadd.f32 v59, v18;
	v52 =	vmul.f32 v45, v10;
	[tilespmem:s5+$0x50] =	vst v21  }
0x87: {  	v54 =	vmul.f32 v43, v14;
	[tilespmem:s5+$0x10] =	vst v26  }
0x88: {  	v53 =	vperm.xlane v32, v27;
	v24 =	vadd.f32 v52, v63;
	v21 =	vld.idx.msk [tilespmem:v57+s21+$0x0], $0xffff;
	[tilespmem:s5+$0xFFFFFCC0] =	vst v39  }
0x89: {  	v25 =	vperm.xlane v30, v27;
	v49 =	vor.u32 v2, v22;
	[tilespmem:s5+$0xFFFFFD00] =	vst v58;
	v20 =	vld.idx.msk [tilespmem:v46+s21+$0x0], $0xffff  }
0x8a: {  	v56 =	vor.u32 v1, v38;
	v31 =	vld.idx.msk [tilespmem:v61+s21+$0x0], $0xffff;
	v57 =	vadd.f32 v54, v24;
	v46 =	vshll.u32 v53, $0x7  }
0x8b: {  	v39 =	vor.u32 v0, v46  }
0x8c: {  	v6 =	vperm.xlane v29, v27;
	v59 =	vmul.f32 v25, v62;
	[tilespmem:s5+$0xC0] =	vst v57  }
0x8d: {  	v4 =	vperm.xlane v28, v27;
	[tilespmem:s5+$0xFFFFFC20] =	vst v21  }
0x8e: {  	v63 =	vadd.f32 v59, v18;
	v21 =	vmul.f32 v6, v10;
	v58 =	vld.idx.msk [tilespmem:v49+s21+$0x0], $0xffff;
	[tilespmem:s5+$0x80] =	vst v20  }
0x8f: {  	[tilespmem:s5+$0xFFFFFD40] =	vst v31;
	v26 =	vld.idx.msk [tilespmem:v56+s21+$0x0], $0xffff  }
0x90: {  	s19 =	sor.u32 $0x3, s18;
	v51 =	vor.u32 v2, v35;
	v53 =	vmul.f32 v4, v14;
	v61 =	vld.idx.msk [tilespmem:v39+s21+$0x0], $0xffff;
	v39 =	vadd.f32 v21, v63  }
0x91: {  	v50 =	vor.u32 v1, v48;
	v49 =	vmov s19  }
0x92: {  	v54 =	vor.u32 v1, v41;
	v52 =	vperm.xlane v40, v49;
	v56 =	vadd.f32 v53, v39  }
0x93: {  	[tilespmem:s5+$0xFFFFFC60] =	vst v58  }
0x94: {  	v31 =	vshll.u32 v52, $0x7;
	[tilespmem:s5+$0x140] =	vst v56  }
0x95: {  	v57 =	vmul.f32 v33, v8;
	v51 =	vld.idx.msk [tilespmem:v51+s21+$0x0], $0xffff;
	[tilespmem:s5+$0xFFFFFC90] =	vst v26;
	v26 =	vor.u32 v0, v31  }
0x96: {  	[tilespmem:s5+$0x100] =	vst v61;
	v50 =	vld.idx.msk [tilespmem:v50+s21+$0x0], $0xffff  }
0x97: {  	v59 =	vmul.f32 v34, v12;
	v52 =	vor.u32 v1, v44;
	v58 =	vadd.f32 v57, v55;
	v39 =	vld.idx.msk [tilespmem:v54+s21+$0x0], $0xffff  }
0x98: {  	v21 =	vperm.xlane v37, v49;
	v63 =	vor.u32 v1, v47;
	v61 =	vmul.f32 v42, v7  }
0x99: {  	v56 =	vmul.f32 v36, v16;
	v24 =	vadd.f32 v59, v58  }
0x9a: {  	v27 =	vshll.u32 v21, $0x7;
	v59 =	vmul.f32 v45, v11;
	v58 =	vadd.f32 v61, v19;
	[tilespmem:s5+$0x20] =	vst v51;
	v26 =	vld.idx.msk [tilespmem:v26+s21+$0x0], $0xffff  }
0x9b: {  	v23 =	vor.u32 v3, v23;
	v54 =	vor.u32 v0, v27;
	v24 =	vadd.f32 v56, v24;
	[tilespmem:s5+$0xFFFFFCD0] =	vst v50  }
0x9c: {  	v61 =	vmul.f32 v43, v15;
	v50 =	vadd.f32 v59, v58;
	[tilespmem:s5+$0xFFFFFD10] =	vst v39;
	v51 =	vld.idx.msk [tilespmem:v52+s21+$0x0], $0xffff  }
0x9d: {  	v52 =	vor.u32 v2, v38;
	v63 =	vld.idx.msk [tilespmem:v63+s21+$0x0], $0xffff  }
0x9e: {  	v21 =	vperm.xlane v32, v49;
	v56 =	vor.u32 v1, v46;
	[tilespmem:s5+$0x60] =	vst v24;
	v59 =	vadd.f32 v61, v50  }
0x9f: {  	v24 =	vperm.xlane v30, v49;
	v61 =	vmul.f32 v25, v7;
	[tilespmem:s5+$0xFFFFFD80] =	vst v26  }
0xa0: {  	v55 =	vor.u32 v3, v22;
	[tilespmem:s5+$0xD0] =	vst v59;
	v39 =	vld.idx.msk [tilespmem:v54+s21+$0x0], $0xffff  }
0xa1: {  	v57 =	vmul.f32 v24, v62;
	v26 =	vshll.u32 v21, $0x7;
	v22 =	vadd.f32 v61, v19;
	v54 =	vld.idx.msk [tilespmem:v23+s21+$0x0], $0xffff;
	[tilespmem:s5+$0x90] =	vst v51  }
0xa2: {  	v51 =	vor.u32 v0, v26;
	[tilespmem:s5+$0xFFFFFD50] =	vst v63;
	v63 =	vmul.f32 v6, v11;
	v52 =	vld.idx.msk [tilespmem:v52+s21+$0x0], $0xffff  }
0xa3: {  	v58 =	vmul.f32 v4, v15;
	v23 =	vperm.xlane v29, v49;
	v56 =	vld.idx.msk [tilespmem:v56+s21+$0x0], $0xffff  }
0xa4: {  	v61 =	vor.u32 v2, v48;
	v59 =	vor.u32 v2, v41;
	v50 =	vadd.f32 v63, v22  }
0xa5: {  	v21 =	vmul.f32 v23, v10;
	v22 =	vperm.xlane v28, v49;
	v63 =	vadd.f32 v57, v18;
	[tilespmem:s5+$0xFFFFFDC0] =	vst v39  }
0xa6: {  	[tilespmem:s5+$0xFFFFFC30] =	vst v54;
	v50 =	vadd.f32 v58, v50  }
0xa7: {  	v49 =	vadd.f32 v21, v63;
	v57 =	vmul.f32 v22, v14;
	v39 =	vld.idx.msk [tilespmem:v51+s21+$0x0], $0xffff;
	[tilespmem:s5+$0xFFFFFCA0] =	vst v52  }
0xa8: {  	v54 =	vld.idx.msk [tilespmem:v55+s21+$0x0], $0xffff;
	[tilespmem:s5+$0x110] =	vst v56  }
0xa9: {  	v58 =	vor.u32 v1, v31;
	[tilespmem:s5+$0x150] =	vst v50;
	v49 =	vadd.f32 v57, v49;
	v53 =	vld.idx.msk [tilespmem:v61+s21+$0x0], $0xffff  }
0xaa: {  	[tilespmem:$0x1FFE0] =	vst v4;
	s19 =	sadd.s32 $0xC, s6;
	v61 =	vor.u32 v2, v44;
	v50 =	vld.idx.msk [tilespmem:v59+s21+$0x0], $0xffff  }
0xab: {  	v5 =	vmov v4;
	s19 =	sand.u32 $0xC, s19;
	v4 =	vld [tilespmem:$0x1FFF0];
	v51 =	vor.u32 v2, v47;
	[tilespmem:s5+$0x1C0] =	vst v49  }
0xac: {  	v49 =	vmov s19;
	[tilespmem:s5+$0x180] =	vst v39  }
0xad: {  	v21 =	vperm.xlane v40, v49;
	[tilespmem:s5+$0xFFFFFC70] =	vst v54  }
0xae: {  	v63 =	vmul.f32 v42, v8;
	v52 =	vld.idx.msk [tilespmem:v58+s21+$0x0], $0xffff;
	[tilespmem:s5+$0xFFFFFCE0] =	vst v53  }
0xaf: {  	v39 =	vshll.u32 v21, $0x7;
	v53 =	vor.u32 v1, v27;
	[tilespmem:s5+$0xFFFFFD20] =	vst v50;
	v54 =	vld.idx.msk [tilespmem:v61+s21+$0x0], $0xffff  }
0xb0: {  	v50 =	vor.u32 v0, v39;
	v61 =	vadd.f32 v63, v4;
	v63 =	vmul.f32 v45, v12;
	v51 =	vld.idx.msk [tilespmem:v51+s21+$0x0], $0xffff  }
0xb1: {  	v4 =	vld [tilespmem:$0x1FFF0]  }
0xb2: {  	v57 =	vor.u32 v3, v38;
	v21 =	vmul.f32 v43, v16;
	v55 =	vadd.f32 v63, v61  }
0xb3: {  	v58 =	vor.u32 v2, v46;
	v63 =	vmul.f32 v25, v8;
	[tilespmem:s5+$0xFFFFFD90] =	vst v52  }
0xb4: {  	v61 =	vadd.f32 v21, v55;
	v53 =	vld.idx.msk [tilespmem:v53+s21+$0x0], $0xffff;
	v21 =	vperm.xlane v37, v49;
	[tilespmem:s5+$0xA0] =	vst v54  }
0xb5: {  	v33 =	vmul.f32 v33, v9;
	v56 =	vor.u32 v3, v35;
	v50 =	vld.idx.msk [tilespmem:v50+s21+$0x0], $0xffff;
	[tilespmem:s5+$0xFFFFFD60] =	vst v51  }
0xb6: {  	v20 =	vmovc v60;
	v35 =	vor.u32 v1, v26;
	v52 =	vadd.f32 v63, v4;
	[tilespmem:s5+$0xE0] =	vst v61;
	v38 =	vshll.u32 v21, $0x7  }
0xb7: {  	v63 =	vmul.f32 v24, v7;
	v61 =	vmul.f32 v6, v12;
	v55 =	vld.idx.msk [tilespmem:v57+s21+$0x0], $0xffff;
	v21 =	vor.u32 v0, v38  }
0xb8: {  	v60 =	vadd.f32 v33, v60;
	v48 =	vor.u32 v3, v48;
	v59 =	vmul.f32 v5, v16;
	v58 =	vld.idx.msk [tilespmem:v58+s21+$0x0], $0xffff  }
0xb9: {  	s18 =	sor.u32 $0x5, s18;
	v51 =	vadd.f32 v63, v19;
	v52 =	vadd.f32 v61, v52;
	v61 =	vmul.f32 v23, v11;
	[tilespmem:s5+$0xFFFFFDD0] =	vst v53  }
0xba: {  	v54 =	vor.u32 v3, v41;
	v63 =	vperm.xlane v32, v49;
	[tilespmem:s0+$0xFFFFFF90] =	vst v50;
	v50 =	vmov s18  }
0xbb: {  	v52 =	vadd.f32 v59, v52;
	v59 =	vld.idx.msk [tilespmem:v35+s21+$0x0], $0xffff;
	v41 =	vadd.f32 v61, v51;
	v51 =	vmul.f32 v22, v15  }
0xbc: {  	v53 =	vor.u32 v2, v31;
	v35 =	vshll.u32 v63, $0x7;
	v57 =	vperm.xlane v40, v50;
	[tilespmem:s5+$0xFFFFFCB0] =	vst v55;
	v55 =	vld.idx.msk [tilespmem:v21+s21+$0x0], $0xffff  }
0xbd: {  	v47 =	vor.u32 v3, v47;
	[tilespmem:s5+$0x120] =	vst v58;
	v58 =	vor.u32 v0, v35;
	v51 =	vadd.f32 v51, v41  }
0xbe: {  	v33 =	vperm.xlane v30, v49;
	v56 =	vld.idx.msk [tilespmem:v56+s21+$0x0], $0xffff;
	v61 =	vmul.f32 v34, v13;
	[tilespmem:s5+$0x160] =	vst v52;
	v41 =	vshll.u32 v57, $0x7  }
0xbf: {  	v34 =	vperm.xlane v29, v49;
	v48 =	vld.idx.msk [tilespmem:v48+s21+$0x0], $0xffff;
	v57 =	vor.u32 v0, v41;
	[tilespmem:s5+$0x1D0] =	vst v51  }
0xc0: {  	v44 =	vor.u32 v3, v44;
	v21 =	vmul.f32 v33, v62;
	v54 =	vld.idx.msk [tilespmem:v54+s21+$0x0], $0xffff;
	[tilespmem:s5+$0x190] =	vst v59  }
0xc1: {  	v0 =	vlaneseq.u32;
	v59 =	vadd.f32 v61, v60;
	v61 =	vmul.f32 v34, v10;
	v51 =	vld.idx.msk [tilespmem:v53+s21+$0x0], $0xffff;
	[tilespmem:s0+$0xFFFFFFD0] =	vst v55  }
0xc2: {  	s19 =	sadd.s32 $0xE, s6;
	v52 =	vadd.f32 v21, v18;
	v55 =	vmul.f32 v36, v17;
	v36 =	vperm.xlane v28, v49;
	v49 =	vld.idx.msk [tilespmem:v58+s21+$0x0], $0xffff  }
0xc3: {  	[tilespmem:$0x1FFD0] =	vst v6;
	v4 =	vld [tilespmem:$0x1FFF0];
	s18 =	sand.u32 $0xE, s19;
	v60 =	vor.u32 v1, v39;
	v53 =	vperm.xlane v37, v50;
	v58 =	vor.u32 v2, v27  }
0xc4: {  	v21 =	vmovc v7;
	v52 =	vadd.f32 v61, v52;
	v61 =	vmov s18;
	[tilespmem:s5+$0xFFFFFCF0] =	vst v48;
	v57 =	vld.idx.msk [tilespmem:v57+s21+$0x0], $0xffff;
	v48 =	vmul.f32 v36, v14  }
0xc5: {  	v7 =	vmovc v62;
	v62 =	vmul.f32 v42, v9;
	[tilespmem:s5+$0xFFFFFD30] =	vst v54;
	v42 =	vshll.u32 v53, $0x7;
	v40 =	vperm.xlane v40, v61;
	v53 =	vld [tilespmem:s16+$0x0]  }
0xc6: {  	v47 =	vld.idx.msk [tilespmem:v47+s21+$0x0], $0xffff;
	[tilespmem:s5+$0xFFFFFDA0] =	vst v51;
	v48 =	vadd.f32 v48, v52;
	v51 =	vor.u32 v0, v42  }
0xc7: {  	v46 =	vor.u32 v3, v46;
	s18 =	sadd.s32 $0xFFFFFFFF, s6;
	v52 =	vld.idx.msk [tilespmem:v44+s21+$0x0], $0xffff;
	v44 =	vshll.u32 v40, $0x7;
	[tilespmem:s5+$0x200] =	vst v49  }
0xc8: {  	s6 =	sand.u32 $0xF, s18;
	v40 =	vmul.f32 v45, v13;
	v45 =	vld.idx.msk [tilespmem:v58+s21+$0x0], $0xffff;
	[tilespmem:s5+$0x240] =	vst v48;
	v48 =	vor.u32 v0, v44  }
0xc9: {  	v43 =	vmul.f32 v43, v17;
	[tilespmem:s5+$0x30] =	vst v56;
	v63 =	vmul.f32 v23, v12;
	v56 =	vld.idx.msk [tilespmem:v60+s21+$0x0], $0xffff;
	v60 =	vmov s6  }
0xca: {  	v54 =	vadd.f32 v62, v20;
	v37 =	vperm.xlane v37, v61;
	[tilespmem:s5+$0xFFFFFE80] =	vst v57;
	v57 =	vld [tilespmem:s16+$0x200];
	v53 =	vperm.xlane v53, v60  }
0xcb: {  	v62 =	vmul.f32 v24, v8;
	v55 =	vadd.f32 v55, v59;
	v59 =	vor.u32 v1, v38;
	v51 =	vld.idx.msk [tilespmem:v51+s21+$0x0], $0xffff  }
0xcc: {  	v49 =	vor.u32 v2, v26;
	v58 =	vperm.xlane v32, v50;
	[tilespmem:s5+$0xFFFFFD70] =	vst v47;
	v47 =	vshll.u32 v53, $0x7  }
0xcd: {  	[tilespmem:s5+$0x70] =	vst v55;
	v54 =	vadd.f32 v40, v54;
	v48 =	vld.idx.msk [tilespmem:v48+s21+$0x0], $0xffff;
	v53 =	vor.u32 v0, v47  }
0xce: {  	v32 =	vperm.xlane v32, v61;
	v40 =	vshll.u32 v58, $0x7;
	v55 =	vld.idx.msk [tilespmem:v46+s21+$0x0], $0xffff;
	[tilespmem:s5+$0xFFFFFDE0] =	vst v45;
	v45 =	vshll.u32 v37, $0x7  }
0xcf: {  	v46 =	vadd.f32 v62, v4;
	v4 =	vld [tilespmem:s16+$0x600];
	v57 =	vadd.s32 $0x12, v57;
	[tilespmem:s0+$0xFFFFFFA0] =	vst v56;
	v56 =	vor.u32 v0, v45  }
0xd0: {  	v58 =	vor.u32 v0, v40;
	v37 =	vperm.xlane v30, v50;
	v57 =	vperm.xlane v57, v60;
	[tilespmem:s5+$0xFFFFFEC0] =	vst v51;
	v51 =	vld [tilespmem:s16+$0x400]  }
0xd1: {  	v54 =	vadd.f32 v43, v54;
	v43 =	vperm.xlane v29, v50;
	[tilespmem:s5+$0xB0] =	vst v52;
	v49 =	vld.idx.msk [tilespmem:v49+s21+$0x0], $0xffff  }
0xd2: {  	v62 =	vadd.f32 v63, v46;
	v46 =	vmul.f32 v37, v7;
	[tilespmem:s2+$0xFFFFFF90] =	vst v48;
	v52 =	vld.idx.msk [tilespmem:v53+s21+$0x0], $0xffff;
	v48 =	vshll.u32 v57, $0x7  }
0xd3: {  	v29 =	vperm.xlane v29, v61;
	v63 =	vmul.f32 v22, v16;
	v59 =	vld.idx.msk [tilespmem:v59+s21+$0x0], $0xffff;
	v57 =	vor.u32 v0, v48  }
0xd4: {  	[tilespmem:s5+$0xF0] =	vst v54;
	v54 =	vmul.f32 v43, v10;
	v53 =	vadd.f32 v46, v18;
	v46 =	vshll.u32 v32, $0x7;
	v56 =	vld.idx.msk [tilespmem:v56+s21+$0x0], $0xffff  }
0xd5: {  	v30 =	vperm.xlane v30, v61;
	[tilespmem:s5+$0x130] =	vst v55;
	v58 =	vld.idx.msk [tilespmem:v58+s21+$0x0], $0xffff;
	v55 =	vor.u32 v0, v46;
	v51 =	vadd.s32 $0x15, v51  }
0xd6: {  	v6 =	vld [tilespmem:s16+$0x800];
	v32 =	vperm.xlane v28, v50;
	[tilespmem:s5+$0x1A0] =	vst v49;
	v50 =	vperm.xlane v51, v60  }
0xd7: {  	v5 =	vmul.f32 v30, v7;
	v28 =	vperm.xlane v28, v61;
	v49 =	vadd.f32 v54, v53;
	v53 =	vld [tilespmem:s16+$0xA00];
	[tilespmem:s3+$0xFFFFFF90] =	vst v52  }
0xd8: {  	[tilespmem:s0+$0xFFFFFFE0] =	vst v59;
	v61 =	vmul.f32 v32, v14;
	v59 =	vor.u32 v1, v41;
	v57 =	vld.idx.msk [tilespmem:v57+s21+$0x0], $0xffff;
	v52 =	vshll.u32 v50, $0x7  }
0xd9: {  	v5 =	vadd.f32 v5, v18;
	v51 =	vmul.f32 v29, v10;
	[tilespmem:s2+$0xFFFFFFD0] =	vst v56;
	v56 =	vor.u32 v0, v52  }
0xda: {  	v49 =	vadd.f32 v61, v49;
	[tilespmem:s5+$0x280] =	vst v58;
	v50 =	vperm.xlane v4, v60;
	v55 =	vld.idx.msk [tilespmem:v55+s21+$0x0], $0xffff  }
0xdb: {  	v5 =	vadd.f32 v51, v5;
	v51 =	vmul.f32 v28, v14;
	v4 =	vadd.f32 v63, v62;
	v62 =	vmovc v7  }
0xdc: {  	v58 =	vor.u32 v1, v44;
	[tilespmem:s5+$0x2C0] =	vst v49;
	v49 =	vperm.xlane v6, v60;
	v6 =	vmul.f32 v50, v62  }
0xdd: {  	s6 =	sadd.s32 $0xFFFFFF00, s1;
	v54 =	vor.u32 v1, v35;
	v59 =	vld.idx.msk [tilespmem:v59+s21+$0x0], $0xffff;
	v5 =	vadd.f32 v51, v5;
	[tilespmem:s3+$0xFFFFFFD0] =	vst v57  }
0xde: {  	s19 =	sor.u32 $0x700, s6;
	v51 =	vperm.xlane v53, v60;
	v6 =	vadd.f32 v6, v18;
	v53 =	vld.idx.msk [tilespmem:v56+s21+$0x0], $0xffff;
	v56 =	vmul.f32 v49, v10  }
0xdf: {  	s18 =	sor.u32 $0x740, s6;
	v61 =	vmul.f32 v33, v21;
	v57 =	vor.u32 v1, v42;
	[tilespmem:s19+$0x2280] =	vst v55  }
0xe0: {  	[tilespmem:s18+$0x2280] =	vst v5;
	v5 =	vadd.f32 v56, v6;
	v6 =	vmul.f32 v51, v14;
	v56 =	vor.u32 v1, v47  }
0xe1: {  	v60 =	vadd.f32 v61, v19;
	v61 =	vmul.f32 v34, v11;
	[tilespmem:s5+$0x1E0] =	vst v4;
	v4 =	vld.idx.msk [tilespmem:v58+s21+$0x0], $0xffff  }
0xe2: {  	v63 =	vor.u32 v1, v45;
	[tilespmem:s5+$0xFFFFFE90] =	vst v59;
	s19 =	sor.u32 $0x780, s1;
	v5 =	vadd.f32 v6, v5  }
0xe3: {  	v54 =	vld.idx.msk [tilespmem:v54+s21+$0x0], $0xffff;
	v55 =	vadd.f32 v61, v60;
	s18 =	sor.u32 $0x7C0, s1;
	v6 =	vmul.f32 v36, v15;
	[tilespmem:s19+$0x2280] =	vst v53  }
0xe4: {  	v60 =	vor.u32 v2, v39;
	v57 =	vld.idx.msk [tilespmem:v57+s21+$0x0], $0xffff;
	[tilespmem:s18+$0x2280] =	vst v5  }
0xe5: {  	v61 =	vor.u32 v1, v40;
	v5 =	vadd.f32 v6, v55;
	v6 =	vld.idx.msk [tilespmem:v56+s21+$0x0], $0xffff  }
0xe6: {  	[tilespmem:s2+$0xFFFFFFA0] =	vst v4;
	v4 =	vor.u32 v1, v48  }
0xe7: {  	[tilespmem:s5+$0x250] =	vst v5;
	v5 =	vmul.f32 v37, v21  }
0xe8: {  	[tilespmem:s5+$0x210] =	vst v54;
	v63 =	vld.idx.msk [tilespmem:v63+s21+$0x0], $0xffff  }
0xe9: {  	v55 =	vld.idx.msk [tilespmem:v60+s21+$0x0], $0xffff;
	[tilespmem:s5+$0xFFFFFED0] =	vst v57;
	v60 =	vmul.f32 v43, v11;
	v5 =	vadd.f32 v5, v19  }
0xea: {  	v56 =	vor.u32 v1, v46;
	v53 =	vld.idx.msk [tilespmem:v61+s21+$0x0], $0xffff;
	[tilespmem:s3+$0xFFFFFFA0] =	vst v6  }
0xeb: {  	v61 =	vmul.f32 v30, v21;
	v5 =	vadd.f32 v60, v5;
	v6 =	vmul.f32 v32, v15;
	v4 =	vld.idx.msk [tilespmem:v4+s21+$0x0], $0xffff  }
0xec: {  	v60 =	vor.u32 v1, v52  }
0xed: {  	v59 =	vmul.f32 v29, v11;
	v54 =	vadd.f32 v61, v19;
	v5 =	vadd.f32 v6, v5  }
0xee: {  	[tilespmem:s2+$0xFFFFFFE0] =	vst v63  }
0xef: {  	v57 =	vor.u32 v2, v38;
	v63 =	vadd.f32 v59, v54;
	[tilespmem:s5+$0x2D0] =	vst v5;
	v5 =	vmul.f32 v28, v15  }
0xf0: {  	v58 =	vor.u32 v2, v41;
	v6 =	vld.idx.msk [tilespmem:v56+s21+$0x0], $0xffff;
	[tilespmem:s3+$0xFFFFFFE0] =	vst v4  }
0xf1: {  	v4 =	vadd.f32 v5, v63;
	v5 =	vld.idx.msk [tilespmem:v60+s21+$0x0], $0xffff  }
0xf2: {  	v60 =	vmov v20;
	v20 =	vld [tilespmem:$0x1FFF0]  }
0xf3: {  	v31 =	vor.u32 v3, v31;
	[tilespmem:s0+$0xFFFFFFB0] =	vst v55  }
0xf4: {  	v7 =	vmov v21;
	v54 =	vor.u32 v2, v44;
	v55 =	vld.idx.msk [tilespmem:v57+s21+$0x0], $0xffff;
	[tilespmem:s5+$0x290] =	vst v53  }
0xf5: {  	s19 =	sor.u32 $0x710, s6;
	v21 =	vmul.f32 v50, v21;
	v57 =	vor.u32 v2, v35;
	v58 =	vld.idx.msk [tilespmem:v58+s21+$0x0], $0xffff;
	v63 =	vmul.f32 v33, v8  }
0xf6: {  	[tilespmem:s19+$0x2280] =	vst v6;
	v6 =	vor.u32 v2, v42  }
0xf7: {  	s18 =	sor.u32 $0x750, s6;
	v21 =	vadd.f32 v21, v19;
	v61 =	vmul.f32 v49, v11;
	v63 =	vadd.f32 v63, v20;
	v20 =	vld [tilespmem:$0x1FFD0]  }
0xf8: {  	v31 =	vld.idx.msk [tilespmem:v31+s21+$0x0], $0xffff;
	v56 =	vor.u32 v2, v47;
	[tilespmem:s18+$0x2280] =	vst v4  }
0xf9: {  	v4 =	vadd.f32 v61, v21;
	v61 =	vmul.f32 v51, v15;
	[tilespmem:s0+$0xFFFFFFF0] =	vst v55;
	v54 =	vld.idx.msk [tilespmem:v54+s21+$0x0], $0xffff  }
0xfa: {  	v21 =	vmul.f32 v34, v12;
	v57 =	vld.idx.msk [tilespmem:v57+s21+$0x0], $0xffff;
	[tilespmem:s5+$0xFFFFFEA0] =	vst v58  }
0xfb: {  	v25 =	vmul.f32 v25, v9;
	s19 =	sor.u32 $0x790, s1;
	v4 =	vadd.f32 v61, v4;
	v6 =	vld.idx.msk [tilespmem:v6+s21+$0x0], $0xffff  }
0xfc: {  	s18 =	sor.u32 $0x7D0, s1;
	v61 =	vor.u32 v2, v45;
	[tilespmem:s19+$0x2280] =	vst v5;
	v55 =	vadd.f32 v21, v63;
	v63 =	vmul.f32 v20, v13;
	v20 =	vld [tilespmem:$0x1FFE0]  }
0xfd: {  	v5 =	vadd.f32 v25, v60;
	v25 =	vor.u32 v3, v27;
	[tilespmem:s18+$0x2280] =	vst v4  }
0xfe: {  	[tilespmem:s5+$0xFFFFFDB0] =	vst v31;
	v27 =	vor.u32 v3, v39;
	v4 =	vmul.f32 v36, v16;
	v58 =	vld.idx.msk [tilespmem:v56+s21+$0x0], $0xffff  }
0xff: {  	v59 =	vor.u32 v2, v48;
	[tilespmem:s2+$0xFFFFFFB0] =	vst v54  }
0x100: {  	v31 =	vor.u32 v2, v40;
	[tilespmem:s5+$0x220] =	vst v57;
	v4 =	vadd.f32 v4, v55;
	v55 =	vld [tilespmem:$0x1FFF0]  }
0x101: {  	v61 =	vld.idx.msk [tilespmem:v61+s21+$0x0], $0xffff;
	[tilespmem:s5+$0xFFFFFEE0] =	vst v6;
	v5 =	vadd.f32 v63, v5;
	v20 =	vmul.f32 v20, v17  }
0x102: {  	v25 =	vld.idx.msk [tilespmem:v25+s21+$0x0], $0xffff;
	[tilespmem:s5+$0x260] =	vst v4;
	v4 =	vmul.f32 v37, v8  }
0x103: {  	v63 =	vor.u32 v2, v46;
	v6 =	vld.idx.msk [tilespmem:v27+s21+$0x0], $0xffff;
	[tilespmem:s3+$0xFFFFFFB0] =	vst v58;
	v5 =	vadd.f32 v20, v5  }
0x104: {  	v56 =	vmul.f32 v43, v12;
	v58 =	vld.idx.msk [tilespmem:v59+s21+$0x0], $0xffff  }
0x105: {  	v4 =	vadd.f32 v4, v55;
	v20 =	vld.idx.msk [tilespmem:v31+s21+$0x0], $0xffff;
	[tilespmem:s5+$0x170] =	vst v5;
	v5 =	vor.u32 v3, v26  }
0x106: {  	v53 =	vmul.f32 v29, v12;
	v57 =	vmul.f32 v30, v8;
	[tilespmem:s2+$0xFFFFFFF0] =	vst v61;
	v61 =	vor.u32 v2, v52  }
0x107: {  	v54 =	vmul.f32 v50, v8;
	v59 =	vmul.f32 v32, v16;
	[tilespmem:s5+$0xFFFFFDF0] =	vst v25;
	v4 =	vadd.f32 v56, v4  }
0x108: {  	v63 =	vld.idx.msk [tilespmem:v63+s21+$0x0], $0xffff;
	[tilespmem:s0+$0xFFFFFFC0] =	vst v6;
	v6 =	vor.u32 v3, v38;
	v26 =	vadd.f32 v57, v55  }
0x109: {  	v56 =	vmul.f32 v28, v16;
	v4 =	vadd.f32 v59, v4;
	[tilespmem:s3+$0xFFFFFFF0] =	vst v58;
	v58 =	vadd.f32 v54, v55  }
0x10a: {  	v26 =	vadd.f32 v53, v26;
	[tilespmem:s5+$0x2A0] =	vst v20;
	v20 =	vor.u32 v3, v41;
	v5 =	vld.idx.msk [tilespmem:v5+s21+$0x0], $0xffff  }
0x10b: {  	v59 =	vmul.f32 v49, v12;
	v57 =	vor.u32 v3, v44;
	[tilespmem:s5+$0x2E0] =	vst v4;
	v4 =	vld.idx.msk [tilespmem:v61+s21+$0x0], $0xffff  }
0x10c: {  	s19 =	sor.u32 $0x720, s6;
	v31 =	vor.u32 v3, v47;
	v61 =	vadd.f32 v56, v26  }
0x10d: {  	s18 =	sor.u32 $0x760, s6;
	v21 =	vadd.f32 v59, v58;
	[tilespmem:s19+$0x2280] =	vst v63;
	v6 =	vld.idx.msk [tilespmem:v6+s21+$0x0], $0xffff;
	v63 =	vmul.f32 v51, v16  }
0x10e: {  	v24 =	vmul.f32 v24, v9;
	[tilespmem:s18+$0x2280] =	vst v61  }
0x10f: {  	v23 =	vmul.f32 v23, v13;
	s19 =	sor.u32 $0x7A0, s1;
	v20 =	vld.idx.msk [tilespmem:v20+s21+$0x0], $0xffff;
	[tilespmem:s5+$0x1B0] =	vst v5;
	v5 =	vadd.f32 v63, v21  }
0x110: {  	v39 =	vor.u32 v3, v42;
	[tilespmem:s19+$0x2280] =	vst v4;
	v4 =	vadd.f32 v24, v60;
	s18 =	sor.u32 $0x7E0, s1;
	v25 =	vld.idx.msk [tilespmem:v57+s21+$0x0], $0xffff  }
0x111: {  	[tilespmem:s18+$0x2280] =	vst v5;
	v5 =	vor.u32 v3, v45  }
0x112: {  	v4 =	vadd.f32 v23, v4;
	[tilespmem:s0+$0x0] =	vst v6;
	v6 =	vmul.f32 v22, v17;
	v42 =	vld.idx.msk [tilespmem:v31+s21+$0x0], $0xffff  }
0x113: {  	v44 =	vor.u32 v3, v48  }
0x114: {  	v41 =	vor.u32 v3, v35;
	v4 =	vadd.f32 v6, v4;
	[tilespmem:s5+$0xFFFFFEB0] =	vst v20;
	v20 =	vmul.f32 v33, v9  }
0x115: {  	v47 =	vmul.f32 v34, v13;
	[tilespmem:s2+$0xFFFFFFC0] =	vst v25;
	v6 =	vld.idx.msk [tilespmem:v39+s21+$0x0], $0xffff  }
0x116: {  	v48 =	vor.u32 v3, v40;
	[tilespmem:s5+$0x1F0] =	vst v4;
	v20 =	vadd.f32 v20, v60;
	v5 =	vld.idx.msk [tilespmem:v5+s21+$0x0], $0xffff  }
0x117: {  	v53 =	vor.u32 v3, v46;
	v4 =	vmul.f32 v37, v9;
	[tilespmem:s3+$0xFFFFFFC0] =	vst v42  }
0x118: {  	v54 =	vmul.f32 v36, v17;
	v20 =	vadd.f32 v47, v20;
	v23 =	vld.idx.msk [tilespmem:v44+s21+$0x0], $0xffff  }
0x119: {  	v56 =	vmul.f32 v43, v13;
	v57 =	vor.u32 v3, v52;
	v45 =	vld.idx.msk [tilespmem:v41+s21+$0x0], $0xffff;
	v4 =	vadd.f32 v4, v60  }
0x11a: {  	v59 =	vmul.f32 v32, v17;
	[tilespmem:s5+$0xFFFFFEF0] =	vst v6;
	v6 =	vmul.f32 v30, v9;
	v20 =	vadd.f32 v54, v20  }
0x11b: {  	v61 =	vmul.f32 v50, v9;
	v4 =	vadd.f32 v56, v4;
	v58 =	vld.idx.msk [tilespmem:v48+s21+$0x0], $0xffff;
	[tilespmem:s2+$0x0] =	vst v5  }
0x11c: {  	[tilespmem:s5+$0x270] =	vst v20;
	v5 =	vadd.f32 v6, v60;
	v6 =	vmul.f32 v29, v13;
	v20 =	vld.idx.msk [tilespmem:v53+s21+$0x0], $0xffff  }
0x11d: {  	v22 =	vadd.f32 v61, v60;
	v63 =	vmul.f32 v49, v13;
	v4 =	vadd.f32 v59, v4;
	[tilespmem:s3+$0x0] =	vst v23  }
0x11e: {  	[tilespmem:s5+$0x230] =	vst v45;
	v5 =	vadd.f32 v6, v5;
	v6 =	vmul.f32 v28, v17;
	v23 =	vld.idx.msk [tilespmem:v57+s21+$0x0], $0xffff  }
0x11f: {  	p0 =	slt.u32 s17, $0x18;
	[tilespmem:s5+$0x2F0] =	vst v4  }
.Ltmp0:
0x120: {  	s19 =	sor.u32 $0x730, s6;
	[tilespmem:s5+$0x2B0] =	vst v58;
	v4 =	vadd.f32 v6, v5;
	v5 =	vadd.f32 v63, v22;
	v6 =	vmul.f32 v51, v17;
	(pc) =	sbr.rel @p0 .LBB2_3-.Ltmp0, $4  }
0x121: {  	s6 =	sor.u32 $0x770, s6;
	[tilespmem:s19+$0x2280] =	vst v20  }
0x122: {  	s0 =	sadd.s32 $0x800, s0;
	s18 =	sor.u32 $0x7B0, s1;
	[tilespmem:s6+$0x2280] =	vst v4;
	v4 =	vadd.f32 v6, v5  }
0x123: {  	s2 =	sadd.s32 $0x800, s2;
	s3 =	sadd.s32 $0x800, s3;
	s19 =	sor.u32 $0x7F0, s1;
	[tilespmem:s18+$0x2280] =	vst v23  }
0x124: {  	v0 =	vlaneseq.u32;
	s5 =	sadd.s32 $0x800, s5;
	s1 =	sadd.s32 $0x800, s1;
	s6 =	smov.u32 s17;
	[tilespmem:s19+$0x2280] =	vst v4  }
0x125: {  	s1 =	sshll.u32 s31, $0xA;
	s31 =	sadd.s32 $0x1, s31  }
0x126: {  	p0 =	sne.s32 s31, $0x10  }
.Ltmp1:
0x127: {  	_ = 	snop;
	(pc) =	sbr.rel @p0 .LBB2_2-.Ltmp1, $4  }
0x128: {  	_ = 	snop  }
0x129: {  	s0 =	sshll.u32 s4, $0xD  }
0x12a: {  	s30 =	sadd.s32 $0x1, s30;
	s0 =	sadd.s32 $0x2280, s0;
	s1 =	sadd.s32 s1, s14  }
0x12b: {  	[hbm4b:s1+s7] =	stream.linear.scatter [tilespmem:s0], [sflag:$0x2], $0x2000, $0x38;
	[tilespmem:$0xA280] =	vst v63  }
0x12c: {  	s29 =	sadd.s32 $0x1, s29  }
0x12d: {  	p0 =	sne.s32 s29, s15  }
.Ltmp2:
0x12e: {  	_ = 	snop;
	(pc) =	sbr.rel @p0 .LBB2_1-.Ltmp2, $4  }
0x12f: {  	_ = 	snop  }
0x130: {  	_ =	swait.ge [sflag:s28], $0x8000  }
0x131: {  	[sflag:s28] =	ssyncset.done $0x0  }
0x132: {  	[sflag:s28] =	ssyncadd.s32 $0xFFFF8000  }
0x133: {  	_ =	sfence.sel $0x180000  }
0x134: {  	[bflag:$0x0] =	sbarrier.arrive $0xFFFF  }
0x135: {  	_ =	strace $0x90000047  }
0x136: {  	s0 =	stileid.u32;
	[bflag:$0x2] =	sbarrier.arrive $0xFFFF  }
0x137: {  	p0 =	sne.s32 s0, $0x0;
	s0 =	rddreg [dreg:$0xa]  }
0x138: {  	s0 =	sadd.s32 @!p0 $0x100000, s0  }
0x139: {  	[sflag:s0] =	ssyncadd.tile.s32 @!p0 $0x1;
	_ =	shalt  }
.Lfunc_end2:
_tile_overlayer_lowered:
.L_overlay_start_2:
0x13a: {  	(tag) =	ssettag $0x2  }
0x13b: {  	s0 =	rddreg [dreg:$0x0];
	s2 =	stileid.u32  }
0x13c: {  	s1 =	rddreg [dreg:$0x1];
	p0 =	sne.s32 s2, $0x0  }
0x13d: {  	s3 =	rddreg [dreg:$0x2];
	[bflag:$0x3] =	sbarrier.arrive $0xFFFF;
	s2 =	simm.s32 @!p0 $0x1C03  }
0x13e: {  	[timem:s3], [sflag:s2] =	dma.local @!p0 [hbm:s0], s1  }
0x13f: {  	s0 =	simm.s32 @!p0 $0x3  }
0x140: {  	_ =	swait.ge @!p0 [sflag:s0], s1  }
0x141: {  	s1 =	ssub.s32 @!p0 $0x0, s1;
	[sflag:s0] =	ssyncset.done @!p0 $0x0  }
0x142: {  	[sflag:s0] =	ssyncadd.s32 @!p0 s1  }
0x143: {  	[bflag:$0x3] =	sbarrier.arrive $0xFFFF  }
0x144: {  	_ =	shalt  }

</sc_bundles>
